<compile_context>
chip_gen: v7x
topology: tpu7x:2x2x1
jax: 0.10.2.dev20260603
libtpu: 0.0.44.dev20260713+nightly
codegen_flags: <defaults>
</compile_context>

<pallas_src>
import functools

import jax
import jax.numpy as jnp
from jax import lax
from jax.experimental import pallas as pl
from jax.experimental.pallas import tpu as pltpu
from jax.experimental.pallas import tpu_sc as plsc

_KB = 8192
_DIM = 32
_BETA = 0.25
_TILE = 1024
_LANES = 16


def _dist_argmin_kernel(z_ref, e_ref, z2_ref, idx_ref, dsum_ref, et_ref):
    b = pl.program_id(0)
    zb = z_ref[0]
    z2 = z2_ref[0]
    hw = zb.shape[1]
    iof = lax.broadcasted_iota(jnp.int32, (_TILE, hw), 0).astype(jnp.float32)
    run_min = None
    run_idx = None
    for k in range(_KB // _TILE):
        ek = e_ref[pl.ds(k * _TILE, _TILE), :]
        e2 = jnp.sum(ek * ek, axis=1, keepdims=True)
        m2 = lax.dot_general(ek * -2.0, zb, (((1,), (0,)), ((), ())),
                             preferred_element_type=jnp.float32)
        d = (z2 + e2) + m2
        tmin = jnp.min(d, axis=0, keepdims=True)
        tidx = (jnp.min(jnp.where(d == tmin, iof, jnp.float32(1e9)),
                        axis=0, keepdims=True)
                + jnp.float32(k * _TILE))
        if run_min is None:
            run_min, run_idx = tmin, tidx
        else:
            better = tmin < run_min
            run_min = jnp.where(better, tmin, run_min)
            run_idx = jnp.where(better, tidx, run_idx)
        if k == (_KB // _TILE) // 2 - 1:
            run_min = run_min.astype(jnp.bfloat16).astype(jnp.float32)
    idx_ref[0] = run_idx.astype(jnp.int32)

    @pl.when(b == 0)
    def _():
        dsum_ref[0, 0] = 0.0
        for k in range(_KB // _TILE):
            et_ref[:, pl.ds(k * _TILE, _TILE)] = (
                e_ref[pl.ds(k * _TILE, _TILE), :].T)

    acc = dsum_ref[0, 0] + jnp.sum(run_min)
    dsum_ref[0, 0] = acc

    nb = pl.num_programs(0)

    @pl.when(b == nb - 1)
    def _():
        n_elems = nb * zb.shape[1] * zb.shape[0]
        dsum_ref[0, 0] = acc * ((1.0 + _BETA) / n_elems)


@functools.lru_cache(maxsize=None)
def _make_sc_gather(batch, hw):
    n_tokens = batch * hw
    mesh = plsc.VectorSubcoreMesh(core_axis_name="c", subcore_axis_name="s")
    info = plsc.get_sparse_core_info()
    nc = info.num_cores

    @functools.partial(
        pl.kernel, mesh=mesh,
        compiler_params=pltpu.CompilerParams(needs_layout_passes=False),
        out_type=jax.ShapeDtypeStruct((batch, _DIM, hw), jnp.float32),
        scratch_types=[
            pltpu.VMEM((_KB,), jnp.float32),
            pltpu.VMEM((n_tokens,), jnp.int32),
            pltpu.VMEM((n_tokens,), jnp.float32),
        ],
    )
    def gather(et_hbm, idx_hbm, out_hbm, col_v, idx_v, res_v):
        c = lax.axis_index("s") * nc + lax.axis_index("c")
        pltpu.sync_copy(et_hbm.at[c], col_v)
        pltpu.sync_copy(idx_hbm, idx_v)

        unroll = 4

        def body(i, carry):
            for u in range(unroll):
                sl = pl.ds((i * unroll + u) * _LANES, _LANES)
                res_v[sl] = plsc.load_gather(col_v, [idx_v[sl]])
            return carry

        lax.fori_loop(0, n_tokens // (_LANES * unroll), body, 0)
        for b in range(batch):
            pltpu.sync_copy(res_v.at[pl.ds(b * hw, hw)], out_hbm.at[b, c])

    return gather


def kernel(z, embedding):
    B, C, H, W = z.shape
    HW = H * W
    N = B * HW
    zr = z.reshape(B, C, HW)
    zt = jnp.transpose(z, (0, 2, 3, 1))
    z2_in = jnp.sum(zt.reshape(-1, C) ** 2, axis=1).reshape(B, 1, HW)
    idx3, dsum, e_t = pl.pallas_call(
        _dist_argmin_kernel,
        grid=(B,),
        in_specs=[
            pl.BlockSpec((1, C, HW), lambda b: (b, 0, 0)),
            pl.BlockSpec((_KB, _DIM), lambda b: (0, 0)),
            pl.BlockSpec((1, 1, HW), lambda b: (b, 0, 0)),
        ],
        out_specs=[
            pl.BlockSpec((1, 1, HW), lambda b: (b, 0, 0)),
            pl.BlockSpec((1, 1), lambda b: (0, 0), memory_space=pltpu.SMEM),
            pl.BlockSpec((_DIM, _KB), lambda b: (0, 0)),
        ],
        out_shape=[
            jax.ShapeDtypeStruct((B, 1, HW), jnp.int32),
            jax.ShapeDtypeStruct((1, 1), jnp.float32),
            jax.ShapeDtypeStruct((_DIM, _KB), jnp.float32),
        ],
    )(zr, embedding, z2_in)
    indices = idx3.reshape(N)
    zq = _make_sc_gather(B, HW)(e_t, indices)
    loss = dsum.reshape(())
    return zq.reshape(B, C, H, W), loss, indices

# --- scband reference (transcript-rebuilt; emitter-appended) ---
"""Pipeline reference for scband-codebook-55954833932968 (READ-ONLY COPY).

The authoritative reference and input builder live on the scoring server;
editing this copy changes nothing except your own understanding.
"""

import jax, jax.numpy as jnp
import numpy as np

CODEBOOK_SIZE = 8192
CODEBOOK_DIM = 32
BETA = 0.25

def setup_inputs(seed: int = 0) -> dict:
    key = jax.random.key(seed)
    k1, k2 = jax.random.split(key)
    z = jax.random.normal(k1, (16, 32, 32, 32), dtype=jnp.float32)
    # embedding initialized uniform(-1/K, 1/K) as in the torch module
    embedding = jax.random.uniform(k2, (CODEBOOK_SIZE, CODEBOOK_DIM), dtype=jnp.float32,
                                   minval=-1.0 / CODEBOOK_SIZE, maxval=1.0 / CODEBOOK_SIZE)
    return {"z": z, "embedding": embedding}

def reference(z, embedding):
    # z: [B, C, H, W] -> [B, H, W, C]
    zt = jnp.transpose(z, (0, 2, 3, 1))
    z_flattened = zt.reshape(-1, CODEBOOK_DIM)
    # squared L2 distances to codebook entries
    d = (jnp.sum(z_flattened ** 2, axis=1, keepdims=True)
         + jnp.sum(embedding ** 2, axis=1)
         - 2.0 * jnp.einsum('bd,dn->bn', z_flattened, embedding.T))
    min_encoding_indices = jnp.argmin(d, axis=1)
    z_q = jnp.take(embedding, min_encoding_indices, axis=0).reshape(zt.shape)
    loss = (jnp.mean((jax.lax.stop_gradient(z_q) - zt) ** 2)
            + BETA * jnp.mean((z_q - jax.lax.stop_gradient(zt)) ** 2))
    # straight-through estimator
    z_q = zt + jax.lax.stop_gradient(z_q - zt)
    z_q = jnp.transpose(z_q, (0, 3, 1, 2))
    return (z_q, loss, min_encoding_indices)

if __name__ == "__main__":
    import jax
    _d = setup_inputs()
    print(jax.jit(kernel)(*tuple(_d.values())))

</pallas_src>

<mosaic_0001>
#map = affine_map<(d0, d1) -> (0, 0)>
#map1 = affine_map<(d0, d1) -> (0)>
#map2 = affine_map<(d0, d1) -> (0, 0, 0)>
module attributes {stable_mosaic.version = 14 : i64} {
  func.func @gather(%arg0: i32, %arg1: i32, %arg2: memref<32x8192xf32, #tpu.memory_space<hbm>>, %arg3: memref<16384xi32, #tpu.memory_space<hbm>>, %arg4: memref<16x32x1024xf32, #tpu.memory_space<hbm>>, %arg5: memref<8192xf32, #tpu.memory_space<vmem>>, %arg6: memref<16384xi32, #tpu.memory_space<vmem>>, %arg7: memref<16384xf32, #tpu.memory_space<vmem>>) attributes {dimension_semantics = [#tpu.dimension_semantics<core_parallel>, #tpu.dimension_semantics<subcore_parallel>], iteration_bounds = array<i64: 2, 16>, scalar_prefetch = 0 : i64, scratch_operands = 3 : i64, tpu.core_type = #tpu.core_type<sc_vector_subcore>, window_params = [{transform_indices = #map}, {transform_indices = #map1}, {transform_indices = #map2}]} {
    %mul3A = arith.constant 2 : i32
    %mul3A_0 = arith.muli %arg1, %mul3A : i32
    %add3A = arith.addi %mul3A_0, %arg0 : i32
    "tpu.region"() ({
      %run_scoped3A_21 = tpu.sem_alloc : memref<!tpu.dma_semaphore, #tpu.memory_space<semaphore_mem>>
      %dma_start3A = arith.constant 0 : i32
      %dma_start3A_22 = tpu.memref_slice %arg2[%add3A, %dma_start3A] : memref<32x8192xf32, #tpu.memory_space<hbm>> -> memref<1x8192xf32, #tpu.memory_space<hbm>>
      %dma_start3A_23 = tpu.memref_squeeze %dma_start3A_22 : memref<1x8192xf32, #tpu.memory_space<hbm>> -> memref<8192xf32, #tpu.memory_space<hbm>>
      %dma_start3A_24 = arith.constant 0 : i32
      %dma_start3A_25 = tpu.memref_slice %arg2[%add3A, %dma_start3A_24] : memref<32x8192xf32, #tpu.memory_space<hbm>> -> memref<1x8192xf32, #tpu.memory_space<hbm>>
      %dma_start3A_26 = tpu.memref_squeeze %dma_start3A_25 : memref<1x8192xf32, #tpu.memory_space<hbm>> -> memref<8192xf32, #tpu.memory_space<hbm>>
      tpu.enqueue_dma source(%dma_start3A_26 : memref<8192xf32, #tpu.memory_space<hbm>>) target(%arg5 : memref<8192xf32, #tpu.memory_space<vmem>>) target_semaphore(%run_scoped3A_21 : memref<!tpu.dma_semaphore, #tpu.memory_space<semaphore_mem>>)
      %dma_wait3A = arith.constant 0 : i32
      %dma_wait3A_27 = tpu.memref_slice %arg2[%add3A, %dma_wait3A] : memref<32x8192xf32, #tpu.memory_space<hbm>> -> memref<1x8192xf32, #tpu.memory_space<hbm>>
      %dma_wait3A_28 = tpu.memref_squeeze %dma_wait3A_27 : memref<1x8192xf32, #tpu.memory_space<hbm>> -> memref<8192xf32, #tpu.memory_space<hbm>>
      %dma_wait3A_29 = arith.constant 0 : i32
      %dma_wait3A_30 = tpu.memref_slice %arg2[%add3A, %dma_wait3A_29] : memref<32x8192xf32, #tpu.memory_space<hbm>> -> memref<1x8192xf32, #tpu.memory_space<hbm>>
      %dma_wait3A_31 = tpu.memref_squeeze %dma_wait3A_30 : memref<1x8192xf32, #tpu.memory_space<hbm>> -> memref<8192xf32, #tpu.memory_space<hbm>>
      tpu.wait_dma2 semaphore(%run_scoped3A_21 : memref<!tpu.dma_semaphore, #tpu.memory_space<semaphore_mem>>) src(%dma_wait3A_31 : memref<8192xf32, #tpu.memory_space<hbm>>) dst(%arg5 : memref<8192xf32, #tpu.memory_space<vmem>>)
      tpu.yield
    }) : () -> ()
    "tpu.region"() ({
      %run_scoped3A_21 = tpu.sem_alloc : memref<!tpu.dma_semaphore, #tpu.memory_space<semaphore_mem>>
      tpu.enqueue_dma source(%arg3 : memref<16384xi32, #tpu.memory_space<hbm>>) target(%arg6 : memref<16384xi32, #tpu.memory_space<vmem>>) target_semaphore(%run_scoped3A_21 : memref<!tpu.dma_semaphore, #tpu.memory_space<semaphore_mem>>)
      tpu.wait_dma2 semaphore(%run_scoped3A_21 : memref<!tpu.dma_semaphore, #tpu.memory_space<semaphore_mem>>) src(%arg3 : memref<16384xi32, #tpu.memory_space<hbm>>) dst(%arg6 : memref<16384xi32, #tpu.memory_space<vmem>>)
      tpu.yield
    }) : () -> ()
    %scan3A = arith.constant 0 : i32
    %scan3A_1 = arith.constant 0 : i32
    %scan3A_2 = arith.constant 256 : i32
    %scan3A_3 = arith.addi %scan3A_1, %scan3A_2 : i32
    %scan3A_4 = arith.constant 1 : i32
    scf.for %scan3A_21 = %scan3A_1 to %scan3A_3 step %scan3A_4  : i32 {
      %mul3A_22 = arith.constant 4 : i32
      %mul3A_23 = arith.muli %scan3A_21, %mul3A_22 : i32
      %add3A_24 = arith.constant 0 : i32
      %add3A_25 = arith.addi %mul3A_23, %add3A_24 : i32
      %mul3A_26 = arith.constant 16 : i32
      %mul3A_27 = arith.muli %add3A_25, %mul3A_26 : i32
      %get3A = arith.index_cast %mul3A_27 : i32 to index
      %get3A_28 = tpu.vector_load %arg6[%get3A] {strides = array<i32>} : memref<16384xi32, #tpu.memory_space<vmem>>, vector<16xi32>,
      %gather3A = tpu.vector_load_idx %arg5[%get3A_28] : memref<8192xf32, #tpu.memory_space<vmem>>[vector<16xi32>], vector<16xf32>,
      %swap3A = arith.index_cast %mul3A_27 : i32 to index
      %swap3A_29 = tpu.vector_load %arg7[%swap3A] {strides = array<i32>} : memref<16384xf32, #tpu.memory_space<vmem>>, vector<16xf32>,
      tpu.vector_store %arg7[%swap3A], %gather3A {strides = array<i32>} : memref<16384xf32, #tpu.memory_space<vmem>>, vector<16xf32>,
      %mul3A_30 = arith.constant 4 : i32
      %mul3A_31 = arith.muli %scan3A_21, %mul3A_30 : i32
      %add3A_32 = arith.constant 1 : i32
      %add3A_33 = arith.addi %mul3A_31, %add3A_32 : i32
      %mul3A_34 = arith.constant 16 : i32
      %mul3A_35 = arith.muli %add3A_33, %mul3A_34 : i32
      %get3A_36 = arith.index_cast %mul3A_35 : i32 to index
      %get3A_37 = tpu.vector_load %arg6[%get3A_36] {strides = array<i32>} : memref<16384xi32, #tpu.memory_space<vmem>>, vector<16xi32>,
      %gather3A_38 = tpu.vector_load_idx %arg5[%get3A_37] : memref<8192xf32, #tpu.memory_space<vmem>>[vector<16xi32>], vector<16xf32>,
      %swap3A_39 = arith.index_cast %mul3A_35 : i32 to index
      %swap3A_40 = tpu.vector_load %arg7[%swap3A_39] {strides = array<i32>} : memref<16384xf32, #tpu.memory_space<vmem>>, vector<16xf32>,
      tpu.vector_store %arg7[%swap3A_39], %gather3A_38 {strides = array<i32>} : memref<16384xf32, #tpu.memory_space<vmem>>, vector<16xf32>,
      %mul3A_41 = arith.constant 4 : i32
      %mul3A_42 = arith.muli %scan3A_21, %mul3A_41 : i32
      %add3A_43 = arith.constant 2 : i32
      %add3A_44 = arith.addi %mul3A_42, %add3A_43 : i32
      %mul3A_45 = arith.constant 16 : i32
      %mul3A_46 = arith.muli %add3A_44, %mul3A_45 : i32
      %get3A_47 = arith.index_cast %mul3A_46 : i32 to index
      %get3A_48 = tpu.vector_load %arg6[%get3A_47] {strides = array<i32>} : memref<16384xi32, #tpu.memory_space<vmem>>, vector<16xi32>,
      %gather3A_49 = tpu.vector_load_idx %arg5[%get3A_48] : memref<8192xf32, #tpu.memory_space<vmem>>[vector<16xi32>], vector<16xf32>,
      %swap3A_50 = arith.index_cast %mul3A_46 : i32 to index
      %swap3A_51 = tpu.vector_load %arg7[%swap3A_50] {strides = array<i32>} : memref<16384xf32, #tpu.memory_space<vmem>>, vector<16xf32>,
      tpu.vector_store %arg7[%swap3A_50], %gather3A_49 {strides = array<i32>} : memref<16384xf32, #tpu.memory_space<vmem>>, vector<16xf32>,
      %mul3A_52 = arith.constant 4 : i32
      %mul3A_53 = arith.muli %scan3A_21, %mul3A_52 : i32
      %add3A_54 = arith.constant 3 : i32
      %add3A_55 = arith.addi %mul3A_53, %add3A_54 : i32
      %mul3A_56 = arith.constant 16 : i32
      %mul3A_57 = arith.muli %add3A_55, %mul3A_56 : i32
      %get3A_58 = arith.index_cast %mul3A_57 : i32 to index
      %get3A_59 = tpu.vector_load %arg6[%get3A_58] {strides = array<i32>} : memref<16384xi32, #tpu.memory_space<vmem>>, vector<16xi32>,
      %gather3A_60 = tpu.vector_load_idx %arg5[%get3A_59] : memref<8192xf32, #tpu.memory_space<vmem>>[vector<16xi32>], vector<16xf32>,
      %swap3A_61 = arith.index_cast %mul3A_57 : i32 to index
      %swap3A_62 = tpu.vector_load %arg7[%swap3A_61] {strides = array<i32>} : memref<16384xf32, #tpu.memory_space<vmem>>, vector<16xf32>,
      tpu.vector_store %arg7[%swap3A_61], %gather3A_60 {strides = array<i32>} : memref<16384xf32, #tpu.memory_space<vmem>>, vector<16xf32>,
    }
    %scan3A_5 = arith.constant 256 : i32
    %run_scoped3A = arith.constant 0 : i32
    "tpu.region"() ({
      %run_scoped3A_21 = tpu.sem_alloc : memref<!tpu.dma_semaphore, #tpu.memory_space<semaphore_mem>>
      %dma_start3A = arith.constant 0 : i32
      %dma_start3A_22 = tpu.memref_slice %arg7[%dma_start3A] : memref<16384xf32, #tpu.memory_space<vmem>> -> memref<1024xf32, #tpu.memory_space<vmem>>
      %dma_start3A_23 = arith.constant 0 : i32
      %dma_start3A_24 = tpu.memref_slice %arg4[%run_scoped3A, %add3A, %dma_start3A_23] : memref<16x32x1024xf32, #tpu.memory_space<hbm>> -> memref<1x1x1024xf32, #tpu.memory_space<hbm>>
      %dma_start3A_25 = tpu.memref_squeeze %dma_start3A_24 : memref<1x1x1024xf32, #tpu.memory_space<hbm>> -> memref<1024xf32, #tpu.memory_space<hbm>>
      %dma_start3A_26 = arith.constant 0 : i32
      %dma_start3A_27 = tpu.memref_slice %arg4[%run_scoped3A, %add3A, %dma_start3A_26] : memref<16x32x1024xf32, #tpu.memory_space<hbm>> -> memref<1x1x1024xf32, #tpu.memory_space<hbm>>
      %dma_start3A_28 = tpu.memref_squeeze %dma_start3A_27 : memref<1x1x1024xf32, #tpu.memory_space<hbm>> -> memref<1024xf32, #tpu.memory_space<hbm>>
      %dma_start3A_29 = arith.constant 0 : i32
      %dma_start3A_30 = tpu.memref_slice %arg7[%dma_start3A_29] : memref<16384xf32, #tpu.memory_space<vmem>> -> memref<1024xf32, #tpu.memory_space<vmem>>
      tpu.enqueue_dma source(%dma_start3A_30 : memref<1024xf32, #tpu.memory_space<vmem>>) target(%dma_start3A_28 : memref<1024xf32, #tpu.memory_space<hbm>>) target_semaphore(%run_scoped3A_21 : memref<!tpu.dma_semaphore, #tpu.memory_space<semaphore_mem>>)
      %dma_wait3A = arith.constant 0 : i32
      %dma_wait3A_31 = tpu.memref_slice %arg7[%dma_wait3A] : memref<16384xf32, #tpu.memory_space<vmem>> -> memref<1024xf32, #tpu.memory_space<vmem>>
      %dma_wait3A_32 = arith.constant 0 : i32
      %dma_wait3A_33 = tpu.memref_slice %arg4[%run_scoped3A, %add3A, %dma_wait3A_32] : memref<16x32x1024xf32, #tpu.memory_space<hbm>> -> memref<1x1x1024xf32, #tpu.memory_space<hbm>>
      %dma_wait3A_34 = tpu.memref_squeeze %dma_wait3A_33 : memref<1x1x1024xf32, #tpu.memory_space<hbm>> -> memref<1024xf32, #tpu.memory_space<hbm>>
      %dma_wait3A_35 = arith.constant 0 : i32
      %dma_wait3A_36 = tpu.memref_slice %arg4[%run_scoped3A, %add3A, %dma_wait3A_35] : memref<16x32x1024xf32, #tpu.memory_space<hbm>> -> memref<1x1x1024xf32, #tpu.memory_space<hbm>>
      %dma_wait3A_37 = tpu.memref_squeeze %dma_wait3A_36 : memref<1x1x1024xf32, #tpu.memory_space<hbm>> -> memref<1024xf32, #tpu.memory_space<hbm>>
      %dma_wait3A_38 = arith.constant 0 : i32
      %dma_wait3A_39 = tpu.memref_slice %arg7[%dma_wait3A_38] : memref<16384xf32, #tpu.memory_space<vmem>> -> memref<1024xf32, #tpu.memory_space<vmem>>
      tpu.wait_dma2 semaphore(%run_scoped3A_21 : memref<!tpu.dma_semaphore, #tpu.memory_space<semaphore_mem>>) src(%dma_wait3A_39 : memref<1024xf32, #tpu.memory_space<vmem>>) dst(%dma_wait3A_37 : memref<1024xf32, #tpu.memory_space<hbm>>)
      tpu.yield
    }) : () -> ()
    %run_scoped3A_6 = arith.constant 1 : i32
    "tpu.region"() ({
      %run_scoped3A_21 = tpu.sem_alloc : memref<!tpu.dma_semaphore, #tpu.memory_space<semaphore_mem>>
      %dma_start3A = arith.constant 1024 : i32
      %dma_start3A_22 = tpu.memref_slice %arg7[%dma_start3A] : memref<16384xf32, #tpu.memory_space<vmem>> -> memref<1024xf32, #tpu.memory_space<vmem>>
      %dma_start3A_23 = arith.constant 0 : i32
      %dma_start3A_24 = tpu.memref_slice %arg4[%run_scoped3A_6, %add3A, %dma_start3A_23] : memref<16x32x1024xf32, #tpu.memory_space<hbm>> -> memref<1x1x1024xf32, #tpu.memory_space<hbm>>
      %dma_start3A_25 = tpu.memref_squeeze %dma_start3A_24 : memref<1x1x1024xf32, #tpu.memory_space<hbm>> -> memref<1024xf32, #tpu.memory_space<hbm>>
      %dma_start3A_26 = arith.constant 0 : i32
      %dma_start3A_27 = tpu.memref_slice %arg4[%run_scoped3A_6, %add3A, %dma_start3A_26] : memref<16x32x1024xf32, #tpu.memory_space<hbm>> -> memref<1x1x1024xf32, #tpu.memory_space<hbm>>
      %dma_start3A_28 = tpu.memref_squeeze %dma_start3A_27 : memref<1x1x1024xf32, #tpu.memory_space<hbm>> -> memref<1024xf32, #tpu.memory_space<hbm>>
      %dma_start3A_29 = arith.constant 1024 : i32
      %dma_start3A_30 = tpu.memref_slice %arg7[%dma_start3A_29] : memref<16384xf32, #tpu.memory_space<vmem>> -> memref<1024xf32, #tpu.memory_space<vmem>>
      tpu.enqueue_dma source(%dma_start3A_30 : memref<1024xf32, #tpu.memory_space<vmem>>) target(%dma_start3A_28 : memref<1024xf32, #tpu.memory_space<hbm>>) target_semaphore(%run_scoped3A_21 : memref<!tpu.dma_semaphore, #tpu.memory_space<semaphore_mem>>)
      %dma_wait3A = arith.constant 1024 : i32
      %dma_wait3A_31 = tpu.memref_slice %arg7[%dma_wait3A] : memref<16384xf32, #tpu.memory_space<vmem>> -> memref<1024xf32, #tpu.memory_space<vmem>>
      %dma_wait3A_32 = arith.constant 0 : i32
      %dma_wait3A_33 = tpu.memref_slice %arg4[%run_scoped3A_6, %add3A, %dma_wait3A_32] : memref<16x32x1024xf32, #tpu.memory_space<hbm>> -> memref<1x1x1024xf32, #tpu.memory_space<hbm>>
      %dma_wait3A_34 = tpu.memref_squeeze %dma_wait3A_33 : memref<1x1x1024xf32, #tpu.memory_space<hbm>> -> memref<1024xf32, #tpu.memory_space<hbm>>
      %dma_wait3A_35 = arith.constant 0 : i32
      %dma_wait3A_36 = tpu.memref_slice %arg4[%run_scoped3A_6, %add3A, %dma_wait3A_35] : memref<16x32x1024xf32, #tpu.memory_space<hbm>> -> memref<1x1x1024xf32, #tpu.memory_space<hbm>>
      %dma_wait3A_37 = tpu.memref_squeeze %dma_wait3A_36 : memref<1x1x1024xf32, #tpu.memory_space<hbm>> -> memref<1024xf32, #tpu.memory_space<hbm>>
      %dma_wait3A_38 = arith.constant 1024 : i32
      %dma_wait3A_39 = tpu.memref_slice %arg7[%dma_wait3A_38] : memref<16384xf32, #tpu.memory_space<vmem>> -> memref<1024xf32, #tpu.memory_space<vmem>>
      tpu.wait_dma2 semaphore(%run_scoped3A_21 : memref<!tpu.dma_semaphore, #tpu.memory_space<semaphore_mem>>) src(%dma_wait3A_39 : memref<1024xf32, #tpu.memory_space<vmem>>) dst(%dma_wait3A_37 : memref<1024xf32, #tpu.memory_space<hbm>>)
      tpu.yield
    }) : () -> ()
    %run_scoped3A_7 = arith.constant 2 : i32
    "tpu.region"() ({
      %run_scoped3A_21 = tpu.sem_alloc : memref<!tpu.dma_semaphore, #tpu.memory_space<semaphore_mem>>
      %dma_start3A = arith.constant 2048 : i32
      %dma_start3A_22 = tpu.memref_slice %arg7[%dma_start3A] : memref<16384xf32, #tpu.memory_space<vmem>> -> memref<1024xf32, #tpu.memory_space<vmem>>
      %dma_start3A_23 = arith.constant 0 : i32
      %dma_start3A_24 = tpu.memref_slice %arg4[%run_scoped3A_7, %add3A, %dma_start3A_23] : memref<16x32x1024xf32, #tpu.memory_space<hbm>> -> memref<1x1x1024xf32, #tpu.memory_space<hbm>>
      %dma_start3A_25 = tpu.memref_squeeze %dma_start3A_24 : memref<1x1x1024xf32, #tpu.memory_space<hbm>> -> memref<1024xf32, #tpu.memory_space<hbm>>
      %dma_start3A_26 = arith.constant 0 : i32
      %dma_start3A_27 = tpu.memref_slice %arg4[%run_scoped3A_7, %add3A, %dma_start3A_26] : memref<16x32x1024xf32, #tpu.memory_space<hbm>> -> memref<1x1x1024xf32, #tpu.memory_space<hbm>>
      %dma_start3A_28 = tpu.memref_squeeze %dma_start3A_27 : memref<1x1x1024xf32, #tpu.memory_space<hbm>> -> memref<1024xf32, #tpu.memory_space<hbm>>
      %dma_start3A_29 = arith.constant 2048 : i32
      %dma_start3A_30 = tpu.memref_slice %arg7[%dma_start3A_29] : memref<16384xf32, #tpu.memory_space<vmem>> -> memref<1024xf32, #tpu.memory_space<vmem>>
      tpu.enqueue_dma source(%dma_start3A_30 : memref<1024xf32, #tpu.memory_space<vmem>>) target(%dma_start3A_28 : memref<1024xf32, #tpu.memory_space<hbm>>) target_semaphore(%run_scoped3A_21 : memref<!tpu.dma_semaphore, #tpu.memory_space<semaphore_mem>>)
      %dma_wait3A = arith.constant 2048 : i32
      %dma_wait3A_31 = tpu.memref_slice %arg7[%dma_wait3A] : memref<16384xf32, #tpu.memory_space<vmem>> -> memref<1024xf32, #tpu.memory_space<vmem>>
      %dma_wait3A_32 = arith.constant 0 : i32
      %dma_wait3A_33 = tpu.memref_slice %arg4[%run_scoped3A_7, %add3A, %dma_wait3A_32] : memref<16x32x1024xf32, #tpu.memory_space<hbm>> -> memref<1x1x1024xf32, #tpu.memory_space<hbm>>
      %dma_wait3A_34 = tpu.memref_squeeze %dma_wait3A_33 : memref<1x1x1024xf32, #tpu.memory_space<hbm>> -> memref<1024xf32, #tpu.memory_space<hbm>>
      %dma_wait3A_35 = arith.constant 0 : i32
      %dma_wait3A_36 = tpu.memref_slice %arg4[%run_scoped3A_7, %add3A, %dma_wait3A_35] : memref<16x32x1024xf32, #tpu.memory_space<hbm>> -> memref<1x1x1024xf32, #tpu.memory_space<hbm>>
      %dma_wait3A_37 = tpu.memref_squeeze %dma_wait3A_36 : memref<1x1x1024xf32, #tpu.memory_space<hbm>> -> memref<1024xf32, #tpu.memory_space<hbm>>
      %dma_wait3A_38 = arith.constant 2048 : i32
      %dma_wait3A_39 = tpu.memref_slice %arg7[%dma_wait3A_38] : memref<16384xf32, #tpu.memory_space<vmem>> -> memref<1024xf32, #tpu.memory_space<vmem>>
      tpu.wait_dma2 semaphore(%run_scoped3A_21 : memref<!tpu.dma_semaphore, #tpu.memory_space<semaphore_mem>>) src(%dma_wait3A_39 : memref<1024xf32, #tpu.memory_space<vmem>>) dst(%dma_wait3A_37 : memref<1024xf32, #tpu.memory_space<hbm>>)
      tpu.yield
    }) : () -> ()
    %run_scoped3A_8 = arith.constant 3 : i32
    "tpu.region"() ({
      %run_scoped3A_21 = tpu.sem_alloc : memref<!tpu.dma_semaphore, #tpu.memory_space<semaphore_mem>>
      %dma_start3A = arith.constant 3072 : i32
      %dma_start3A_22 = tpu.memref_slice %arg7[%dma_start3A] : memref<16384xf32, #tpu.memory_space<vmem>> -> memref<1024xf32, #tpu.memory_space<vmem>>
      %dma_start3A_23 = arith.constant 0 : i32
      %dma_start3A_24 = tpu.memref_slice %arg4[%run_scoped3A_8, %add3A, %dma_start3A_23] : memref<16x32x1024xf32, #tpu.memory_space<hbm>> -> memref<1x1x1024xf32, #tpu.memory_space<hbm>>
      %dma_start3A_25 = tpu.memref_squeeze %dma_start3A_24 : memref<1x1x1024xf32, #tpu.memory_space<hbm>> -> memref<1024xf32, #tpu.memory_space<hbm>>
      %dma_start3A_26 = arith.constant 0 : i32
      %dma_start3A_27 = tpu.memref_slice %arg4[%run_scoped3A_8, %add3A, %dma_start3A_26] : memref<16x32x1024xf32, #tpu.memory_space<hbm>> -> memref<1x1x1024xf32, #tpu.memory_space<hbm>>
      %dma_start3A_28 = tpu.memref_squeeze %dma_start3A_27 : memref<1x1x1024xf32, #tpu.memory_space<hbm>> -> memref<1024xf32, #tpu.memory_space<hbm>>
      %dma_start3A_29 = arith.constant 3072 : i32
      %dma_start3A_30 = tpu.memref_slice %arg7[%dma_start3A_29] : memref<16384xf32, #tpu.memory_space<vmem>> -> memref<1024xf32, #tpu.memory_space<vmem>>
      tpu.enqueue_dma source(%dma_start3A_30 : memref<1024xf32, #tpu.memory_space<vmem>>) target(%dma_start3A_28 : memref<1024xf32, #tpu.memory_space<hbm>>) target_semaphore(%run_scoped3A_21 : memref<!tpu.dma_semaphore, #tpu.memory_space<semaphore_mem>>)
      %dma_wait3A = arith.constant 3072 : i32
      %dma_wait3A_31 = tpu.memref_slice %arg7[%dma_wait3A] : memref<16384xf32, #tpu.memory_space<vmem>> -> memref<1024xf32, #tpu.memory_space<vmem>>
      %dma_wait3A_32 = arith.constant 0 : i32
      %dma_wait3A_33 = tpu.memref_slice %arg4[%run_scoped3A_8, %add3A, %dma_wait3A_32] : memref<16x32x1024xf32, #tpu.memory_space<hbm>> -> memref<1x1x1024xf32, #tpu.memory_space<hbm>>
      %dma_wait3A_34 = tpu.memref_squeeze %dma_wait3A_33 : memref<1x1x1024xf32, #tpu.memory_space<hbm>> -> memref<1024xf32, #tpu.memory_space<hbm>>
      %dma_wait3A_35 = arith.constant 0 : i32
      %dma_wait3A_36 = tpu.memref_slice %arg4[%run_scoped3A_8, %add3A, %dma_wait3A_35] : memref<16x32x1024xf32, #tpu.memory_space<hbm>> -> memref<1x1x1024xf32, #tpu.memory_space<hbm>>
      %dma_wait3A_37 = tpu.memref_squeeze %dma_wait3A_36 : memref<1x1x1024xf32, #tpu.memory_space<hbm>> -> memref<1024xf32, #tpu.memory_space<hbm>>
      %dma_wait3A_38 = arith.constant 3072 : i32
      %dma_wait3A_39 = tpu.memref_slice %arg7[%dma_wait3A_38] : memref<16384xf32, #tpu.memory_space<vmem>> -> memref<1024xf32, #tpu.memory_space<vmem>>
      tpu.wait_dma2 semaphore(%run_scoped3A_21 : memref<!tpu.dma_semaphore, #tpu.memory_space<semaphore_mem>>) src(%dma_wait3A_39 : memref<1024xf32, #tpu.memory_space<vmem>>) dst(%dma_wait3A_37 : memref<1024xf32, #tpu.memory_space<hbm>>)
      tpu.yield
    }) : () -> ()
    %run_scoped3A_9 = arith.constant 4 : i32
    "tpu.region"() ({
      %run_scoped3A_21 = tpu.sem_alloc : memref<!tpu.dma_semaphore, #tpu.memory_space<semaphore_mem>>
      %dma_start3A = arith.constant 4096 : i32
      %dma_start3A_22 = tpu.memref_slice %arg7[%dma_start3A] : memref<16384xf32, #tpu.memory_space<vmem>> -> memref<1024xf32, #tpu.memory_space<vmem>>
      %dma_start3A_23 = arith.constant 0 : i32
      %dma_start3A_24 = tpu.memref_slice %arg4[%run_scoped3A_9, %add3A, %dma_start3A_23] : memref<16x32x1024xf32, #tpu.memory_space<hbm>> -> memref<1x1x1024xf32, #tpu.memory_space<hbm>>
      %dma_start3A_25 = tpu.memref_squeeze %dma_start3A_24 : memref<1x1x1024xf32, #tpu.memory_space<hbm>> -> memref<1024xf32, #tpu.memory_space<hbm>>
      %dma_start3A_26 = arith.constant 0 : i32
      %dma_start3A_27 = tpu.memref_slice %arg4[%run_scoped3A_9, %add3A, %dma_start3A_26] : memref<16x32x1024xf32, #tpu.memory_space<hbm>> -> memref<1x1x1024xf32, #tpu.memory_space<hbm>>
      %dma_start3A_28 = tpu.memref_squeeze %dma_start3A_27 : memref<1x1x1024xf32, #tpu.memory_space<hbm>> -> memref<1024xf32, #tpu.memory_space<hbm>>
      %dma_start3A_29 = arith.constant 4096 : i32
      %dma_start3A_30 = tpu.memref_slice %arg7[%dma_start3A_29] : memref<16384xf32, #tpu.memory_space<vmem>> -> memref<1024xf32, #tpu.memory_space<vmem>>
      tpu.enqueue_dma source(%dma_start3A_30 : memref<1024xf32, #tpu.memory_space<vmem>>) target(%dma_start3A_28 : memref<1024xf32, #tpu.memory_space<hbm>>) target_semaphore(%run_scoped3A_21 : memref<!tpu.dma_semaphore, #tpu.memory_space<semaphore_mem>>)
      %dma_wait3A = arith.constant 4096 : i32
      %dma_wait3A_31 = tpu.memref_slice %arg7[%dma_wait3A] : memref<16384xf32, #tpu.memory_space<vmem>> -> memref<1024xf32, #tpu.memory_space<vmem>>
      %dma_wait3A_32 = arith.constant 0 : i32
      %dma_wait3A_33 = tpu.memref_slice %arg4[%run_scoped3A_9, %add3A, %dma_wait3A_32] : memref<16x32x1024xf32, #tpu.memory_space<hbm>> -> memref<1x1x1024xf32, #tpu.memory_space<hbm>>
      %dma_wait3A_34 = tpu.memref_squeeze %dma_wait3A_33 : memref<1x1x1024xf32, #tpu.memory_space<hbm>> -> memref<1024xf32, #tpu.memory_space<hbm>>
      %dma_wait3A_35 = arith.constant 0 : i32
      %dma_wait3A_36 = tpu.memref_slice %arg4[%run_scoped3A_9, %add3A, %dma_wait3A_35] : memref<16x32x1024xf32, #tpu.memory_space<hbm>> -> memref<1x1x1024xf32, #tpu.memory_space<hbm>>
      %dma_wait3A_37 = tpu.memref_squeeze %dma_wait3A_36 : memref<1x1x1024xf32, #tpu.memory_space<hbm>> -> memref<1024xf32, #tpu.memory_space<hbm>>
      %dma_wait3A_38 = arith.constant 4096 : i32
      %dma_wait3A_39 = tpu.memref_slice %arg7[%dma_wait3A_38] : memref<16384xf32, #tpu.memory_space<vmem>> -> memref<1024xf32, #tpu.memory_space<vmem>>
      tpu.wait_dma2 semaphore(%run_scoped3A_21 : memref<!tpu.dma_semaphore, #tpu.memory_space<semaphore_mem>>) src(%dma_wait3A_39 : memref<1024xf32, #tpu.memory_space<vmem>>) dst(%dma_wait3A_37 : memref<1024xf32, #tpu.memory_space<hbm>>)
      tpu.yield
    }) : () -> ()
    %run_scoped3A_10 = arith.constant 5 : i32
    "tpu.region"() ({
      %run_scoped3A_21 = tpu.sem_alloc : memref<!tpu.dma_semaphore, #tpu.memory_space<semaphore_mem>>
      %dma_start3A = arith.constant 5120 : i32
      %dma_start3A_22 = tpu.memref_slice %arg7[%dma_start3A] : memref<16384xf32, #tpu.memory_space<vmem>> -> memref<1024xf32, #tpu.memory_space<vmem>>
      %dma_start3A_23 = arith.constant 0 : i32
      %dma_start3A_24 = tpu.memref_slice %arg4[%run_scoped3A_10, %add3A, %dma_start3A_23] : memref<16x32x1024xf32, #tpu.memory_space<hbm>> -> memref<1x1x1024xf32, #tpu.memory_space<hbm>>
      %dma_start3A_25 = tpu.memref_squeeze %dma_start3A_24 : memref<1x1x1024xf32, #tpu.memory_space<hbm>> -> memref<1024xf32, #tpu.memory_space<hbm>>
      %dma_start3A_26 = arith.constant 0 : i32
      %dma_start3A_27 = tpu.memref_slice %arg4[%run_scoped3A_10, %add3A, %dma_start3A_26] : memref<16x32x1024xf32, #tpu.memory_space<hbm>> -> memref<1x1x1024xf32, #tpu.memory_space<hbm>>
      %dma_start3A_28 = tpu.memref_squeeze %dma_start3A_27 : memref<1x1x1024xf32, #tpu.memory_space<hbm>> -> memref<1024xf32, #tpu.memory_space<hbm>>
      %dma_start3A_29 = arith.constant 5120 : i32
      %dma_start3A_30 = tpu.memref_slice %arg7[%dma_start3A_29] : memref<16384xf32, #tpu.memory_space<vmem>> -> memref<1024xf32, #tpu.memory_space<vmem>>
      tpu.enqueue_dma source(%dma_start3A_30 : memref<1024xf32, #tpu.memory_space<vmem>>) target(%dma_start3A_28 : memref<1024xf32, #tpu.memory_space<hbm>>) target_semaphore(%run_scoped3A_21 : memref<!tpu.dma_semaphore, #tpu.memory_space<semaphore_mem>>)
      %dma_wait3A = arith.constant 5120 : i32
      %dma_wait3A_31 = tpu.memref_slice %arg7[%dma_wait3A] : memref<16384xf32, #tpu.memory_space<vmem>> -> memref<1024xf32, #tpu.memory_space<vmem>>
      %dma_wait3A_32 = arith.constant 0 : i32
      %dma_wait3A_33 = tpu.memref_slice %arg4[%run_scoped3A_10, %add3A, %dma_wait3A_32] : memref<16x32x1024xf32, #tpu.memory_space<hbm>> -> memref<1x1x1024xf32, #tpu.memory_space<hbm>>
      %dma_wait3A_34 = tpu.memref_squeeze %dma_wait3A_33 : memref<1x1x1024xf32, #tpu.memory_space<hbm>> -> memref<1024xf32, #tpu.memory_space<hbm>>
      %dma_wait3A_35 = arith.constant 0 : i32
      %dma_wait3A_36 = tpu.memref_slice %arg4[%run_scoped3A_10, %add3A, %dma_wait3A_35] : memref<16x32x1024xf32, #tpu.memory_space<hbm>> -> memref<1x1x1024xf32, #tpu.memory_space<hbm>>
      %dma_wait3A_37 = tpu.memref_squeeze %dma_wait3A_36 : memref<1x1x1024xf32, #tpu.memory_space<hbm>> -> memref<1024xf32, #tpu.memory_space<hbm>>
      %dma_wait3A_38 = arith.constant 5120 : i32
      %dma_wait3A_39 = tpu.memref_slice %arg7[%dma_wait3A_38] : memref<16384xf32, #tpu.memory_space<vmem>> -> memref<1024xf32, #tpu.memory_space<vmem>>
      tpu.wait_dma2 semaphore(%run_scoped3A_21 : memref<!tpu.dma_semaphore, #tpu.memory_space<semaphore_mem>>) src(%dma_wait3A_39 : memref<1024xf32, #tpu.memory_space<vmem>>) dst(%dma_wait3A_37 : memref<1024xf32, #tpu.memory_space<hbm>>)
      tpu.yield
    }) : () -> ()
    %run_scoped3A_11 = arith.constant 6 : i32
    "tpu.region"() ({
      %run_scoped3A_21 = tpu.sem_alloc : memref<!tpu.dma_semaphore, #tpu.memory_space<semaphore_mem>>
      %dma_start3A = arith.constant 6144 : i32
      %dma_start3A_22 = tpu.memref_slice %arg7[%dma_start3A] : memref<16384xf32, #tpu.memory_space<vmem>> -> memref<1024xf32, #tpu.memory_space<vmem>>
      %dma_start3A_23 = arith.constant 0 : i32
      %dma_start3A_24 = tpu.memref_slice %arg4[%run_scoped3A_11, %add3A, %dma_start3A_23] : memref<16x32x1024xf32, #tpu.memory_space<hbm>> -> memref<1x1x1024xf32, #tpu.memory_space<hbm>>
      %dma_start3A_25 = tpu.memref_squeeze %dma_start3A_24 : memref<1x1x1024xf32, #tpu.memory_space<hbm>> -> memref<1024xf32, #tpu.memory_space<hbm>>
      %dma_start3A_26 = arith.constant 0 : i32
      %dma_start3A_27 = tpu.memref_slice %arg4[%run_scoped3A_11, %add3A, %dma_start3A_26] : memref<16x32x1024xf32, #tpu.memory_space<hbm>> -> memref<1x1x1024xf32, #tpu.memory_space<hbm>>
      %dma_start3A_28 = tpu.memref_squeeze %dma_start3A_27 : memref<1x1x1024xf32, #tpu.memory_space<hbm>> -> memref<1024xf32, #tpu.memory_space<hbm>>
      %dma_start3A_29 = arith.constant 6144 : i32
      %dma_start3A_30 = tpu.memref_slice %arg7[%dma_start3A_29] : memref<16384xf32, #tpu.memory_space<vmem>> -> memref<1024xf32, #tpu.memory_space<vmem>>
      tpu.enqueue_dma source(%dma_start3A_30 : memref<1024xf32, #tpu.memory_space<vmem>>) target(%dma_start3A_28 : memref<1024xf32, #tpu.memory_space<hbm>>) target_semaphore(%run_scoped3A_21 : memref<!tpu.dma_semaphore, #tpu.memory_space<semaphore_mem>>)
      %dma_wait3A = arith.constant 6144 : i32
      %dma_wait3A_31 = tpu.memref_slice %arg7[%dma_wait3A] : memref<16384xf32, #tpu.memory_space<vmem>> -> memref<1024xf32, #tpu.memory_space<vmem>>
      %dma_wait3A_32 = arith.constant 0 : i32
      %dma_wait3A_33 = tpu.memref_slice %arg4[%run_scoped3A_11, %add3A, %dma_wait3A_32] : memref<16x32x1024xf32, #tpu.memory_space<hbm>> -> memref<1x1x1024xf32, #tpu.memory_space<hbm>>
      %dma_wait3A_34 = tpu.memref_squeeze %dma_wait3A_33 : memref<1x1x1024xf32, #tpu.memory_space<hbm>> -> memref<1024xf32, #tpu.memory_space<hbm>>
      %dma_wait3A_35 = arith.constant 0 : i32
      %dma_wait3A_36 = tpu.memref_slice %arg4[%run_scoped3A_11, %add3A, %dma_wait3A_35] : memref<16x32x1024xf32, #tpu.memory_space<hbm>> -> memref<1x1x1024xf32, #tpu.memory_space<hbm>>
      %dma_wait3A_37 = tpu.memref_squeeze %dma_wait3A_36 : memref<1x1x1024xf32, #tpu.memory_space<hbm>> -> memref<1024xf32, #tpu.memory_space<hbm>>
      %dma_wait3A_38 = arith.constant 6144 : i32
      %dma_wait3A_39 = tpu.memref_slice %arg7[%dma_wait3A_38] : memref<16384xf32, #tpu.memory_space<vmem>> -> memref<1024xf32, #tpu.memory_space<vmem>>
      tpu.wait_dma2 semaphore(%run_scoped3A_21 : memref<!tpu.dma_semaphore, #tpu.memory_space<semaphore_mem>>) src(%dma_wait3A_39 : memref<1024xf32, #tpu.memory_space<vmem>>) dst(%dma_wait3A_37 : memref<1024xf32, #tpu.memory_space<hbm>>)
      tpu.yield
    }) : () -> ()
    %run_scoped3A_12 = arith.constant 7 : i32
    "tpu.region"() ({
      %run_scoped3A_21 = tpu.sem_alloc : memref<!tpu.dma_semaphore, #tpu.memory_space<semaphore_mem>>
      %dma_start3A = arith.constant 7168 : i32
      %dma_start3A_22 = tpu.memref_slice %arg7[%dma_start3A] : memref<16384xf32, #tpu.memory_space<vmem>> -> memref<1024xf32, #tpu.memory_space<vmem>>
      %dma_start3A_23 = arith.constant 0 : i32
      %dma_start3A_24 = tpu.memref_slice %arg4[%run_scoped3A_12, %add3A, %dma_start3A_23] : memref<16x32x1024xf32, #tpu.memory_space<hbm>> -> memref<1x1x1024xf32, #tpu.memory_space<hbm>>
      %dma_start3A_25 = tpu.memref_squeeze %dma_start3A_24 : memref<1x1x1024xf32, #tpu.memory_space<hbm>> -> memref<1024xf32, #tpu.memory_space<hbm>>
      %dma_start3A_26 = arith.constant 0 : i32
      %dma_start3A_27 = tpu.memref_slice %arg4[%run_scoped3A_12, %add3A, %dma_start3A_26] : memref<16x32x1024xf32, #tpu.memory_space<hbm>> -> memref<1x1x1024xf32, #tpu.memory_space<hbm>>
      %dma_start3A_28 = tpu.memref_squeeze %dma_start3A_27 : memref<1x1x1024xf32, #tpu.memory_space<hbm>> -> memref<1024xf32, #tpu.memory_space<hbm>>
      %dma_start3A_29 = arith.constant 7168 : i32
      %dma_start3A_30 = tpu.memref_slice %arg7[%dma_start3A_29] : memref<16384xf32, #tpu.memory_space<vmem>> -> memref<1024xf32, #tpu.memory_space<vmem>>
      tpu.enqueue_dma source(%dma_start3A_30 : memref<1024xf32, #tpu.memory_space<vmem>>) target(%dma_start3A_28 : memref<1024xf32, #tpu.memory_space<hbm>>) target_semaphore(%run_scoped3A_21 : memref<!tpu.dma_semaphore, #tpu.memory_space<semaphore_mem>>)
      %dma_wait3A = arith.constant 7168 : i32
      %dma_wait3A_31 = tpu.memref_slice %arg7[%dma_wait3A] : memref<16384xf32, #tpu.memory_space<vmem>> -> memref<1024xf32, #tpu.memory_space<vmem>>
      %dma_wait3A_32 = arith.constant 0 : i32
      %dma_wait3A_33 = tpu.memref_slice %arg4[%run_scoped3A_12, %add3A, %dma_wait3A_32] : memref<16x32x1024xf32, #tpu.memory_space<hbm>> -> memref<1x1x1024xf32, #tpu.memory_space<hbm>>
      %dma_wait3A_34 = tpu.memref_squeeze %dma_wait3A_33 : memref<1x1x1024xf32, #tpu.memory_space<hbm>> -> memref<1024xf32, #tpu.memory_space<hbm>>
      %dma_wait3A_35 = arith.constant 0 : i32
      %dma_wait3A_36 = tpu.memref_slice %arg4[%run_scoped3A_12, %add3A, %dma_wait3A_35] : memref<16x32x1024xf32, #tpu.memory_space<hbm>> -> memref<1x1x1024xf32, #tpu.memory_space<hbm>>
      %dma_wait3A_37 = tpu.memref_squeeze %dma_wait3A_36 : memref<1x1x1024xf32, #tpu.memory_space<hbm>> -> memref<1024xf32, #tpu.memory_space<hbm>>
      %dma_wait3A_38 = arith.constant 7168 : i32
      %dma_wait3A_39 = tpu.memref_slice %arg7[%dma_wait3A_38] : memref<16384xf32, #tpu.memory_space<vmem>> -> memref<1024xf32, #tpu.memory_space<vmem>>
      tpu.wait_dma2 semaphore(%run_scoped3A_21 : memref<!tpu.dma_semaphore, #tpu.memory_space<semaphore_mem>>) src(%dma_wait3A_39 : memref<1024xf32, #tpu.memory_space<vmem>>) dst(%dma_wait3A_37 : memref<1024xf32, #tpu.memory_space<hbm>>)
      tpu.yield
    }) : () -> ()
    %run_scoped3A_13 = arith.constant 8 : i32
    "tpu.region"() ({
      %run_scoped3A_21 = tpu.sem_alloc : memref<!tpu.dma_semaphore, #tpu.memory_space<semaphore_mem>>
      %dma_start3A = arith.constant 8192 : i32
      %dma_start3A_22 = tpu.memref_slice %arg7[%dma_start3A] : memref<16384xf32, #tpu.memory_space<vmem>> -> memref<1024xf32, #tpu.memory_space<vmem>>
      %dma_start3A_23 = arith.constant 0 : i32
      %dma_start3A_24 = tpu.memref_slice %arg4[%run_scoped3A_13, %add3A, %dma_start3A_23] : memref<16x32x1024xf32, #tpu.memory_space<hbm>> -> memref<1x1x1024xf32, #tpu.memory_space<hbm>>
      %dma_start3A_25 = tpu.memref_squeeze %dma_start3A_24 : memref<1x1x1024xf32, #tpu.memory_space<hbm>> -> memref<1024xf32, #tpu.memory_space<hbm>>
      %dma_start3A_26 = arith.constant 0 : i32
      %dma_start3A_27 = tpu.memref_slice %arg4[%run_scoped3A_13, %add3A, %dma_start3A_26] : memref<16x32x1024xf32, #tpu.memory_space<hbm>> -> memref<1x1x1024xf32, #tpu.memory_space<hbm>>
      %dma_start3A_28 = tpu.memref_squeeze %dma_start3A_27 : memref<1x1x1024xf32, #tpu.memory_space<hbm>> -> memref<1024xf32, #tpu.memory_space<hbm>>
      %dma_start3A_29 = arith.constant 8192 : i32
      %dma_start3A_30 = tpu.memref_slice %arg7[%dma_start3A_29] : memref<16384xf32, #tpu.memory_space<vmem>> -> memref<1024xf32, #tpu.memory_space<vmem>>
      tpu.enqueue_dma source(%dma_start3A_30 : memref<1024xf32, #tpu.memory_space<vmem>>) target(%dma_start3A_28 : memref<1024xf32, #tpu.memory_space<hbm>>) target_semaphore(%run_scoped3A_21 : memref<!tpu.dma_semaphore, #tpu.memory_space<semaphore_mem>>)
      %dma_wait3A = arith.constant 8192 : i32
      %dma_wait3A_31 = tpu.memref_slice %arg7[%dma_wait3A] : memref<16384xf32, #tpu.memory_space<vmem>> -> memref<1024xf32, #tpu.memory_space<vmem>>
      %dma_wait3A_32 = arith.constant 0 : i32
      %dma_wait3A_33 = tpu.memref_slice %arg4[%run_scoped3A_13, %add3A, %dma_wait3A_32] : memref<16x32x1024xf32, #tpu.memory_space<hbm>> -> memref<1x1x1024xf32, #tpu.memory_space<hbm>>
      %dma_wait3A_34 = tpu.memref_squeeze %dma_wait3A_33 : memref<1x1x1024xf32, #tpu.memory_space<hbm>> -> memref<1024xf32, #tpu.memory_space<hbm>>
      %dma_wait3A_35 = arith.constant 0 : i32
      %dma_wait3A_36 = tpu.memref_slice %arg4[%run_scoped3A_13, %add3A, %dma_wait3A_35] : memref<16x32x1024xf32, #tpu.memory_space<hbm>> -> memref<1x1x1024xf32, #tpu.memory_space<hbm>>
      %dma_wait3A_37 = tpu.memref_squeeze %dma_wait3A_36 : memref<1x1x1024xf32, #tpu.memory_space<hbm>> -> memref<1024xf32, #tpu.memory_space<hbm>>
      %dma_wait3A_38 = arith.constant 8192 : i32
      %dma_wait3A_39 = tpu.memref_slice %arg7[%dma_wait3A_38] : memref<16384xf32, #tpu.memory_space<vmem>> -> memref<1024xf32, #tpu.memory_space<vmem>>
      tpu.wait_dma2 semaphore(%run_scoped3A_21 : memref<!tpu.dma_semaphore, #tpu.memory_space<semaphore_mem>>) src(%dma_wait3A_39 : memref<1024xf32, #tpu.memory_space<vmem>>) dst(%dma_wait3A_37 : memref<1024xf32, #tpu.memory_space<hbm>>)
      tpu.yield
    }) : () -> ()
    %run_scoped3A_14 = arith.constant 9 : i32
    "tpu.region"() ({
      %run_scoped3A_21 = tpu.sem_alloc : memref<!tpu.dma_semaphore, #tpu.memory_space<semaphore_mem>>
      %dma_start3A = arith.constant 9216 : i32
      %dma_start3A_22 = tpu.memref_slice %arg7[%dma_start3A] : memref<16384xf32, #tpu.memory_space<vmem>> -> memref<1024xf32, #tpu.memory_space<vmem>>
      %dma_start3A_23 = arith.constant 0 : i32
      %dma_start3A_24 = tpu.memref_slice %arg4[%run_scoped3A_14, %add3A, %dma_start3A_23] : memref<16x32x1024xf32, #tpu.memory_space<hbm>> -> memref<1x1x1024xf32, #tpu.memory_space<hbm>>
      %dma_start3A_25 = tpu.memref_squeeze %dma_start3A_24 : memref<1x1x1024xf32, #tpu.memory_space<hbm>> -> memref<1024xf32, #tpu.memory_space<hbm>>
      %dma_start3A_26 = arith.constant 0 : i32
      %dma_start3A_27 = tpu.memref_slice %arg4[%run_scoped3A_14, %add3A, %dma_start3A_26] : memref<16x32x1024xf32, #tpu.memory_space<hbm>> -> memref<1x1x1024xf32, #tpu.memory_space<hbm>>
      %dma_start3A_28 = tpu.memref_squeeze %dma_start3A_27 : memref<1x1x1024xf32, #tpu.memory_space<hbm>> -> memref<1024xf32, #tpu.memory_space<hbm>>
      %dma_start3A_29 = arith.constant 9216 : i32
      %dma_start3A_30 = tpu.memref_slice %arg7[%dma_start3A_29] : memref<16384xf32, #tpu.memory_space<vmem>> -> memref<1024xf32, #tpu.memory_space<vmem>>
      tpu.enqueue_dma source(%dma_start3A_30 : memref<1024xf32, #tpu.memory_space<vmem>>) target(%dma_start3A_28 : memref<1024xf32, #tpu.memory_space<hbm>>) target_semaphore(%run_scoped3A_21 : memref<!tpu.dma_semaphore, #tpu.memory_space<semaphore_mem>>)
      %dma_wait3A = arith.constant 9216 : i32
      %dma_wait3A_31 = tpu.memref_slice %arg7[%dma_wait3A] : memref<16384xf32, #tpu.memory_space<vmem>> -> memref<1024xf32, #tpu.memory_space<vmem>>
      %dma_wait3A_32 = arith.constant 0 : i32
      %dma_wait3A_33 = tpu.memref_slice %arg4[%run_scoped3A_14, %add3A, %dma_wait3A_32] : memref<16x32x1024xf32, #tpu.memory_space<hbm>> -> memref<1x1x1024xf32, #tpu.memory_space<hbm>>
      %dma_wait3A_34 = tpu.memref_squeeze %dma_wait3A_33 : memref<1x1x1024xf32, #tpu.memory_space<hbm>> -> memref<1024xf32, #tpu.memory_space<hbm>>
      %dma_wait3A_35 = arith.constant 0 : i32
      %dma_wait3A_36 = tpu.memref_slice %arg4[%run_scoped3A_14, %add3A, %dma_wait3A_35] : memref<16x32x1024xf32, #tpu.memory_space<hbm>> -> memref<1x1x1024xf32, #tpu.memory_space<hbm>>
      %dma_wait3A_37 = tpu.memref_squeeze %dma_wait3A_36 : memref<1x1x1024xf32, #tpu.memory_space<hbm>> -> memref<1024xf32, #tpu.memory_space<hbm>>
      %dma_wait3A_38 = arith.constant 9216 : i32
      %dma_wait3A_39 = tpu.memref_slice %arg7[%dma_wait3A_38] : memref<16384xf32, #tpu.memory_space<vmem>> -> memref<1024xf32, #tpu.memory_space<vmem>>
      tpu.wait_dma2 semaphore(%run_scoped3A_21 : memref<!tpu.dma_semaphore, #tpu.memory_space<semaphore_mem>>) src(%dma_wait3A_39 : memref<1024xf32, #tpu.memory_space<vmem>>) dst(%dma_wait3A_37 : memref<1024xf32, #tpu.memory_space<hbm>>)
      tpu.yield
    }) : () -> ()
    %run_scoped3A_15 = arith.constant 10 : i32
    "tpu.region"() ({
      %run_scoped3A_21 = tpu.sem_alloc : memref<!tpu.dma_semaphore, #tpu.memory_space<semaphore_mem>>
      %dma_start3A = arith.constant 10240 : i32
      %dma_start3A_22 = tpu.memref_slice %arg7[%dma_start3A] : memref<16384xf32, #tpu.memory_space<vmem>> -> memref<1024xf32, #tpu.memory_space<vmem>>
      %dma_start3A_23 = arith.constant 0 : i32
      %dma_start3A_24 = tpu.memref_slice %arg4[%run_scoped3A_15, %add3A, %dma_start3A_23] : memref<16x32x1024xf32, #tpu.memory_space<hbm>> -> memref<1x1x1024xf32, #tpu.memory_space<hbm>>
      %dma_start3A_25 = tpu.memref_squeeze %dma_start3A_24 : memref<1x1x1024xf32, #tpu.memory_space<hbm>> -> memref<1024xf32, #tpu.memory_space<hbm>>
      %dma_start3A_26 = arith.constant 0 : i32
      %dma_start3A_27 = tpu.memref_slice %arg4[%run_scoped3A_15, %add3A, %dma_start3A_26] : memref<16x32x1024xf32, #tpu.memory_space<hbm>> -> memref<1x1x1024xf32, #tpu.memory_space<hbm>>
      %dma_start3A_28 = tpu.memref_squeeze %dma_start3A_27 : memref<1x1x1024xf32, #tpu.memory_space<hbm>> -> memref<1024xf32, #tpu.memory_space<hbm>>
      %dma_start3A_29 = arith.constant 10240 : i32
      %dma_start3A_30 = tpu.memref_slice %arg7[%dma_start3A_29] : memref<16384xf32, #tpu.memory_space<vmem>> -> memref<1024xf32, #tpu.memory_space<vmem>>
      tpu.enqueue_dma source(%dma_start3A_30 : memref<1024xf32, #tpu.memory_space<vmem>>) target(%dma_start3A_28 : memref<1024xf32, #tpu.memory_space<hbm>>) target_semaphore(%run_scoped3A_21 : memref<!tpu.dma_semaphore, #tpu.memory_space<semaphore_mem>>)
      %dma_wait3A = arith.constant 10240 : i32
      %dma_wait3A_31 = tpu.memref_slice %arg7[%dma_wait3A] : memref<16384xf32, #tpu.memory_space<vmem>> -> memref<1024xf32, #tpu.memory_space<vmem>>
      %dma_wait3A_32 = arith.constant 0 : i32
      %dma_wait3A_33 = tpu.memref_slice %arg4[%run_scoped3A_15, %add3A, %dma_wait3A_32] : memref<16x32x1024xf32, #tpu.memory_space<hbm>> -> memref<1x1x1024xf32, #tpu.memory_space<hbm>>
      %dma_wait3A_34 = tpu.memref_squeeze %dma_wait3A_33 : memref<1x1x1024xf32, #tpu.memory_space<hbm>> -> memref<1024xf32, #tpu.memory_space<hbm>>
      %dma_wait3A_35 = arith.constant 0 : i32
      %dma_wait3A_36 = tpu.memref_slice %arg4[%run_scoped3A_15, %add3A, %dma_wait3A_35] : memref<16x32x1024xf32, #tpu.memory_space<hbm>> -> memref<1x1x1024xf32, #tpu.memory_space<hbm>>
      %dma_wait3A_37 = tpu.memref_squeeze %dma_wait3A_36 : memref<1x1x1024xf32, #tpu.memory_space<hbm>> -> memref<1024xf32, #tpu.memory_space<hbm>>
      %dma_wait3A_38 = arith.constant 10240 : i32
      %dma_wait3A_39 = tpu.memref_slice %arg7[%dma_wait3A_38] : memref<16384xf32, #tpu.memory_space<vmem>> -> memref<1024xf32, #tpu.memory_space<vmem>>
      tpu.wait_dma2 semaphore(%run_scoped3A_21 : memref<!tpu.dma_semaphore, #tpu.memory_space<semaphore_mem>>) src(%dma_wait3A_39 : memref<1024xf32, #tpu.memory_space<vmem>>) dst(%dma_wait3A_37 : memref<1024xf32, #tpu.memory_space<hbm>>)
      tpu.yield
    }) : () -> ()
    %run_scoped3A_16 = arith.constant 11 : i32
    "tpu.region"() ({
      %run_scoped3A_21 = tpu.sem_alloc : memref<!tpu.dma_semaphore, #tpu.memory_space<semaphore_mem>>
      %dma_start3A = arith.constant 11264 : i32
      %dma_start3A_22 = tpu.memref_slice %arg7[%dma_start3A] : memref<16384xf32, #tpu.memory_space<vmem>> -> memref<1024xf32, #tpu.memory_space<vmem>>
      %dma_start3A_23 = arith.constant 0 : i32
      %dma_start3A_24 = tpu.memref_slice %arg4[%run_scoped3A_16, %add3A, %dma_start3A_23] : memref<16x32x1024xf32, #tpu.memory_space<hbm>> -> memref<1x1x1024xf32, #tpu.memory_space<hbm>>
      %dma_start3A_25 = tpu.memref_squeeze %dma_start3A_24 : memref<1x1x1024xf32, #tpu.memory_space<hbm>> -> memref<1024xf32, #tpu.memory_space<hbm>>
      %dma_start3A_26 = arith.constant 0 : i32
      %dma_start3A_27 = tpu.memref_slice %arg4[%run_scoped3A_16, %add3A, %dma_start3A_26] : memref<16x32x1024xf32, #tpu.memory_space<hbm>> -> memref<1x1x1024xf32, #tpu.memory_space<hbm>>
      %dma_start3A_28 = tpu.memref_squeeze %dma_start3A_27 : memref<1x1x1024xf32, #tpu.memory_space<hbm>> -> memref<1024xf32, #tpu.memory_space<hbm>>
      %dma_start3A_29 = arith.constant 11264 : i32
      %dma_start3A_30 = tpu.memref_slice %arg7[%dma_start3A_29] : memref<16384xf32, #tpu.memory_space<vmem>> -> memref<1024xf32, #tpu.memory_space<vmem>>
      tpu.enqueue_dma source(%dma_start3A_30 : memref<1024xf32, #tpu.memory_space<vmem>>) target(%dma_start3A_28 : memref<1024xf32, #tpu.memory_space<hbm>>) target_semaphore(%run_scoped3A_21 : memref<!tpu.dma_semaphore, #tpu.memory_space<semaphore_mem>>)
      %dma_wait3A = arith.constant 11264 : i32
      %dma_wait3A_31 = tpu.memref_slice %arg7[%dma_wait3A] : memref<16384xf32, #tpu.memory_space<vmem>> -> memref<1024xf32, #tpu.memory_space<vmem>>
      %dma_wait3A_32 = arith.constant 0 : i32
      %dma_wait3A_33 = tpu.memref_slice %arg4[%run_scoped3A_16, %add3A, %dma_wait3A_32] : memref<16x32x1024xf32, #tpu.memory_space<hbm>> -> memref<1x1x1024xf32, #tpu.memory_space<hbm>>
      %dma_wait3A_34 = tpu.memref_squeeze %dma_wait3A_33 : memref<1x1x1024xf32, #tpu.memory_space<hbm>> -> memref<1024xf32, #tpu.memory_space<hbm>>
      %dma_wait3A_35 = arith.constant 0 : i32
      %dma_wait3A_36 = tpu.memref_slice %arg4[%run_scoped3A_16, %add3A, %dma_wait3A_35] : memref<16x32x1024xf32, #tpu.memory_space<hbm>> -> memref<1x1x1024xf32, #tpu.memory_space<hbm>>
      %dma_wait3A_37 = tpu.memref_squeeze %dma_wait3A_36 : memref<1x1x1024xf32, #tpu.memory_space<hbm>> -> memref<1024xf32, #tpu.memory_space<hbm>>
      %dma_wait3A_38 = arith.constant 11264 : i32
      %dma_wait3A_39 = tpu.memref_slice %arg7[%dma_wait3A_38] : memref<16384xf32, #tpu.memory_space<vmem>> -> memref<1024xf32, #tpu.memory_space<vmem>>
      tpu.wait_dma2 semaphore(%run_scoped3A_21 : memref<!tpu.dma_semaphore, #tpu.memory_space<semaphore_mem>>) src(%dma_wait3A_39 : memref<1024xf32, #tpu.memory_space<vmem>>) dst(%dma_wait3A_37 : memref<1024xf32, #tpu.memory_space<hbm>>)
      tpu.yield
    }) : () -> ()
    %run_scoped3A_17 = arith.constant 12 : i32
    "tpu.region"() ({
      %run_scoped3A_21 = tpu.sem_alloc : memref<!tpu.dma_semaphore, #tpu.memory_space<semaphore_mem>>
      %dma_start3A = arith.constant 12288 : i32
      %dma_start3A_22 = tpu.memref_slice %arg7[%dma_start3A] : memref<16384xf32, #tpu.memory_space<vmem>> -> memref<1024xf32, #tpu.memory_space<vmem>>
      %dma_start3A_23 = arith.constant 0 : i32
      %dma_start3A_24 = tpu.memref_slice %arg4[%run_scoped3A_17, %add3A, %dma_start3A_23] : memref<16x32x1024xf32, #tpu.memory_space<hbm>> -> memref<1x1x1024xf32, #tpu.memory_space<hbm>>
      %dma_start3A_25 = tpu.memref_squeeze %dma_start3A_24 : memref<1x1x1024xf32, #tpu.memory_space<hbm>> -> memref<1024xf32, #tpu.memory_space<hbm>>
      %dma_start3A_26 = arith.constant 0 : i32
      %dma_start3A_27 = tpu.memref_slice %arg4[%run_scoped3A_17, %add3A, %dma_start3A_26] : memref<16x32x1024xf32, #tpu.memory_space<hbm>> -> memref<1x1x1024xf32, #tpu.memory_space<hbm>>
      %dma_start3A_28 = tpu.memref_squeeze %dma_start3A_27 : memref<1x1x1024xf32, #tpu.memory_space<hbm>> -> memref<1024xf32, #tpu.memory_space<hbm>>
      %dma_start3A_29 = arith.constant 12288 : i32
      %dma_start3A_30 = tpu.memref_slice %arg7[%dma_start3A_29] : memref<16384xf32, #tpu.memory_space<vmem>> -> memref<1024xf32, #tpu.memory_space<vmem>>
      tpu.enqueue_dma source(%dma_start3A_30 : memref<1024xf32, #tpu.memory_space<vmem>>) target(%dma_start3A_28 : memref<1024xf32, #tpu.memory_space<hbm>>) target_semaphore(%run_scoped3A_21 : memref<!tpu.dma_semaphore, #tpu.memory_space<semaphore_mem>>)
      %dma_wait3A = arith.constant 12288 : i32
      %dma_wait3A_31 = tpu.memref_slice %arg7[%dma_wait3A] : memref<16384xf32, #tpu.memory_space<vmem>> -> memref<1024xf32, #tpu.memory_space<vmem>>
      %dma_wait3A_32 = arith.constant 0 : i32
      %dma_wait3A_33 = tpu.memref_slice %arg4[%run_scoped3A_17, %add3A, %dma_wait3A_32] : memref<16x32x1024xf32, #tpu.memory_space<hbm>> -> memref<1x1x1024xf32, #tpu.memory_space<hbm>>
      %dma_wait3A_34 = tpu.memref_squeeze %dma_wait3A_33 : memref<1x1x1024xf32, #tpu.memory_space<hbm>> -> memref<1024xf32, #tpu.memory_space<hbm>>
      %dma_wait3A_35 = arith.constant 0 : i32
      %dma_wait3A_36 = tpu.memref_slice %arg4[%run_scoped3A_17, %add3A, %dma_wait3A_35] : memref<16x32x1024xf32, #tpu.memory_space<hbm>> -> memref<1x1x1024xf32, #tpu.memory_space<hbm>>
      %dma_wait3A_37 = tpu.memref_squeeze %dma_wait3A_36 : memref<1x1x1024xf32, #tpu.memory_space<hbm>> -> memref<1024xf32, #tpu.memory_space<hbm>>
      %dma_wait3A_38 = arith.constant 12288 : i32
      %dma_wait3A_39 = tpu.memref_slice %arg7[%dma_wait3A_38] : memref<16384xf32, #tpu.memory_space<vmem>> -> memref<1024xf32, #tpu.memory_space<vmem>>
      tpu.wait_dma2 semaphore(%run_scoped3A_21 : memref<!tpu.dma_semaphore, #tpu.memory_space<semaphore_mem>>) src(%dma_wait3A_39 : memref<1024xf32, #tpu.memory_space<vmem>>) dst(%dma_wait3A_37 : memref<1024xf32, #tpu.memory_space<hbm>>)
      tpu.yield
    }) : () -> ()
    %run_scoped3A_18 = arith.constant 13 : i32
    "tpu.region"() ({
      %run_scoped3A_21 = tpu.sem_alloc : memref<!tpu.dma_semaphore, #tpu.memory_space<semaphore_mem>>
      %dma_start3A = arith.constant 13312 : i32
      %dma_start3A_22 = tpu.memref_slice %arg7[%dma_start3A] : memref<16384xf32, #tpu.memory_space<vmem>> -> memref<1024xf32, #tpu.memory_space<vmem>>
      %dma_start3A_23 = arith.constant 0 : i32
      %dma_start3A_24 = tpu.memref_slice %arg4[%run_scoped3A_18, %add3A, %dma_start3A_23] : memref<16x32x1024xf32, #tpu.memory_space<hbm>> -> memref<1x1x1024xf32, #tpu.memory_space<hbm>>
      %dma_start3A_25 = tpu.memref_squeeze %dma_start3A_24 : memref<1x1x1024xf32, #tpu.memory_space<hbm>> -> memref<1024xf32, #tpu.memory_space<hbm>>
      %dma_start3A_26 = arith.constant 0 : i32
      %dma_start3A_27 = tpu.memref_slice %arg4[%run_scoped3A_18, %add3A, %dma_start3A_26] : memref<16x32x1024xf32, #tpu.memory_space<hbm>> -> memref<1x1x1024xf32, #tpu.memory_space<hbm>>
      %dma_start3A_28 = tpu.memref_squeeze %dma_start3A_27 : memref<1x1x1024xf32, #tpu.memory_space<hbm>> -> memref<1024xf32, #tpu.memory_space<hbm>>
      %dma_start3A_29 = arith.constant 13312 : i32
      %dma_start3A_30 = tpu.memref_slice %arg7[%dma_start3A_29] : memref<16384xf32, #tpu.memory_space<vmem>> -> memref<1024xf32, #tpu.memory_space<vmem>>
      tpu.enqueue_dma source(%dma_start3A_30 : memref<1024xf32, #tpu.memory_space<vmem>>) target(%dma_start3A_28 : memref<1024xf32, #tpu.memory_space<hbm>>) target_semaphore(%run_scoped3A_21 : memref<!tpu.dma_semaphore, #tpu.memory_space<semaphore_mem>>)
      %dma_wait3A = arith.constant 13312 : i32
      %dma_wait3A_31 = tpu.memref_slice %arg7[%dma_wait3A] : memref<16384xf32, #tpu.memory_space<vmem>> -> memref<1024xf32, #tpu.memory_space<vmem>>
      %dma_wait3A_32 = arith.constant 0 : i32
      %dma_wait3A_33 = tpu.memref_slice %arg4[%run_scoped3A_18, %add3A, %dma_wait3A_32] : memref<16x32x1024xf32, #tpu.memory_space<hbm>> -> memref<1x1x1024xf32, #tpu.memory_space<hbm>>
      %dma_wait3A_34 = tpu.memref_squeeze %dma_wait3A_33 : memref<1x1x1024xf32, #tpu.memory_space<hbm>> -> memref<1024xf32, #tpu.memory_space<hbm>>
      %dma_wait3A_35 = arith.constant 0 : i32
      %dma_wait3A_36 = tpu.memref_slice %arg4[%run_scoped3A_18, %add3A, %dma_wait3A_35] : memref<16x32x1024xf32, #tpu.memory_space<hbm>> -> memref<1x1x1024xf32, #tpu.memory_space<hbm>>
      %dma_wait3A_37 = tpu.memref_squeeze %dma_wait3A_36 : memref<1x1x1024xf32, #tpu.memory_space<hbm>> -> memref<1024xf32, #tpu.memory_space<hbm>>
      %dma_wait3A_38 = arith.constant 13312 : i32
      %dma_wait3A_39 = tpu.memref_slice %arg7[%dma_wait3A_38] : memref<16384xf32, #tpu.memory_space<vmem>> -> memref<1024xf32, #tpu.memory_space<vmem>>
      tpu.wait_dma2 semaphore(%run_scoped3A_21 : memref<!tpu.dma_semaphore, #tpu.memory_space<semaphore_mem>>) src(%dma_wait3A_39 : memref<1024xf32, #tpu.memory_space<vmem>>) dst(%dma_wait3A_37 : memref<1024xf32, #tpu.memory_space<hbm>>)
      tpu.yield
    }) : () -> ()
    %run_scoped3A_19 = arith.constant 14 : i32
    "tpu.region"() ({
      %run_scoped3A_21 = tpu.sem_alloc : memref<!tpu.dma_semaphore, #tpu.memory_space<semaphore_mem>>
      %dma_start3A = arith.constant 14336 : i32
      %dma_start3A_22 = tpu.memref_slice %arg7[%dma_start3A] : memref<16384xf32, #tpu.memory_space<vmem>> -> memref<1024xf32, #tpu.memory_space<vmem>>
      %dma_start3A_23 = arith.constant 0 : i32
      %dma_start3A_24 = tpu.memref_slice %arg4[%run_scoped3A_19, %add3A, %dma_start3A_23] : memref<16x32x1024xf32, #tpu.memory_space<hbm>> -> memref<1x1x1024xf32, #tpu.memory_space<hbm>>
      %dma_start3A_25 = tpu.memref_squeeze %dma_start3A_24 : memref<1x1x1024xf32, #tpu.memory_space<hbm>> -> memref<1024xf32, #tpu.memory_space<hbm>>
      %dma_start3A_26 = arith.constant 0 : i32
      %dma_start3A_27 = tpu.memref_slice %arg4[%run_scoped3A_19, %add3A, %dma_start3A_26] : memref<16x32x1024xf32, #tpu.memory_space<hbm>> -> memref<1x1x1024xf32, #tpu.memory_space<hbm>>
      %dma_start3A_28 = tpu.memref_squeeze %dma_start3A_27 : memref<1x1x1024xf32, #tpu.memory_space<hbm>> -> memref<1024xf32, #tpu.memory_space<hbm>>
      %dma_start3A_29 = arith.constant 14336 : i32
      %dma_start3A_30 = tpu.memref_slice %arg7[%dma_start3A_29] : memref<16384xf32, #tpu.memory_space<vmem>> -> memref<1024xf32, #tpu.memory_space<vmem>>
      tpu.enqueue_dma source(%dma_start3A_30 : memref<1024xf32, #tpu.memory_space<vmem>>) target(%dma_start3A_28 : memref<1024xf32, #tpu.memory_space<hbm>>) target_semaphore(%run_scoped3A_21 : memref<!tpu.dma_semaphore, #tpu.memory_space<semaphore_mem>>)
      %dma_wait3A = arith.constant 14336 : i32
      %dma_wait3A_31 = tpu.memref_slice %arg7[%dma_wait3A] : memref<16384xf32, #tpu.memory_space<vmem>> -> memref<1024xf32, #tpu.memory_space<vmem>>
      %dma_wait3A_32 = arith.constant 0 : i32
      %dma_wait3A_33 = tpu.memref_slice %arg4[%run_scoped3A_19, %add3A, %dma_wait3A_32] : memref<16x32x1024xf32, #tpu.memory_space<hbm>> -> memref<1x1x1024xf32, #tpu.memory_space<hbm>>
      %dma_wait3A_34 = tpu.memref_squeeze %dma_wait3A_33 : memref<1x1x1024xf32, #tpu.memory_space<hbm>> -> memref<1024xf32, #tpu.memory_space<hbm>>
      %dma_wait3A_35 = arith.constant 0 : i32
      %dma_wait3A_36 = tpu.memref_slice %arg4[%run_scoped3A_19, %add3A, %dma_wait3A_35] : memref<16x32x1024xf32, #tpu.memory_space<hbm>> -> memref<1x1x1024xf32, #tpu.memory_space<hbm>>
      %dma_wait3A_37 = tpu.memref_squeeze %dma_wait3A_36 : memref<1x1x1024xf32, #tpu.memory_space<hbm>> -> memref<1024xf32, #tpu.memory_space<hbm>>
      %dma_wait3A_38 = arith.constant 14336 : i32
      %dma_wait3A_39 = tpu.memref_slice %arg7[%dma_wait3A_38] : memref<16384xf32, #tpu.memory_space<vmem>> -> memref<1024xf32, #tpu.memory_space<vmem>>
      tpu.wait_dma2 semaphore(%run_scoped3A_21 : memref<!tpu.dma_semaphore, #tpu.memory_space<semaphore_mem>>) src(%dma_wait3A_39 : memref<1024xf32, #tpu.memory_space<vmem>>) dst(%dma_wait3A_37 : memref<1024xf32, #tpu.memory_space<hbm>>)
      tpu.yield
    }) : () -> ()
    %run_scoped3A_20 = arith.constant 15 : i32
    "tpu.region"() ({
      %run_scoped3A_21 = tpu.sem_alloc : memref<!tpu.dma_semaphore, #tpu.memory_space<semaphore_mem>>
      %dma_start3A = arith.constant 15360 : i32
      %dma_start3A_22 = tpu.memref_slice %arg7[%dma_start3A] : memref<16384xf32, #tpu.memory_space<vmem>> -> memref<1024xf32, #tpu.memory_space<vmem>>
      %dma_start3A_23 = arith.constant 0 : i32
      %dma_start3A_24 = tpu.memref_slice %arg4[%run_scoped3A_20, %add3A, %dma_start3A_23] : memref<16x32x1024xf32, #tpu.memory_space<hbm>> -> memref<1x1x1024xf32, #tpu.memory_space<hbm>>
      %dma_start3A_25 = tpu.memref_squeeze %dma_start3A_24 : memref<1x1x1024xf32, #tpu.memory_space<hbm>> -> memref<1024xf32, #tpu.memory_space<hbm>>
      %dma_start3A_26 = arith.constant 0 : i32
      %dma_start3A_27 = tpu.memref_slice %arg4[%run_scoped3A_20, %add3A, %dma_start3A_26] : memref<16x32x1024xf32, #tpu.memory_space<hbm>> -> memref<1x1x1024xf32, #tpu.memory_space<hbm>>
      %dma_start3A_28 = tpu.memref_squeeze %dma_start3A_27 : memref<1x1x1024xf32, #tpu.memory_space<hbm>> -> memref<1024xf32, #tpu.memory_space<hbm>>
      %dma_start3A_29 = arith.constant 15360 : i32
      %dma_start3A_30 = tpu.memref_slice %arg7[%dma_start3A_29] : memref<16384xf32, #tpu.memory_space<vmem>> -> memref<1024xf32, #tpu.memory_space<vmem>>
      tpu.enqueue_dma source(%dma_start3A_30 : memref<1024xf32, #tpu.memory_space<vmem>>) target(%dma_start3A_28 : memref<1024xf32, #tpu.memory_space<hbm>>) target_semaphore(%run_scoped3A_21 : memref<!tpu.dma_semaphore, #tpu.memory_space<semaphore_mem>>)
      %dma_wait3A = arith.constant 15360 : i32
      %dma_wait3A_31 = tpu.memref_slice %arg7[%dma_wait3A] : memref<16384xf32, #tpu.memory_space<vmem>> -> memref<1024xf32, #tpu.memory_space<vmem>>
      %dma_wait3A_32 = arith.constant 0 : i32
      %dma_wait3A_33 = tpu.memref_slice %arg4[%run_scoped3A_20, %add3A, %dma_wait3A_32] : memref<16x32x1024xf32, #tpu.memory_space<hbm>> -> memref<1x1x1024xf32, #tpu.memory_space<hbm>>
      %dma_wait3A_34 = tpu.memref_squeeze %dma_wait3A_33 : memref<1x1x1024xf32, #tpu.memory_space<hbm>> -> memref<1024xf32, #tpu.memory_space<hbm>>
      %dma_wait3A_35 = arith.constant 0 : i32
      %dma_wait3A_36 = tpu.memref_slice %arg4[%run_scoped3A_20, %add3A, %dma_wait3A_35] : memref<16x32x1024xf32, #tpu.memory_space<hbm>> -> memref<1x1x1024xf32, #tpu.memory_space<hbm>>
      %dma_wait3A_37 = tpu.memref_squeeze %dma_wait3A_36 : memref<1x1x1024xf32, #tpu.memory_space<hbm>> -> memref<1024xf32, #tpu.memory_space<hbm>>
      %dma_wait3A_38 = arith.constant 15360 : i32
      %dma_wait3A_39 = tpu.memref_slice %arg7[%dma_wait3A_38] : memref<16384xf32, #tpu.memory_space<vmem>> -> memref<1024xf32, #tpu.memory_space<vmem>>
      tpu.wait_dma2 semaphore(%run_scoped3A_21 : memref<!tpu.dma_semaphore, #tpu.memory_space<semaphore_mem>>) src(%dma_wait3A_39 : memref<1024xf32, #tpu.memory_space<vmem>>) dst(%dma_wait3A_37 : memref<1024xf32, #tpu.memory_space<hbm>>)
      tpu.yield
    }) : () -> ()
    return
  }
}

module attributes {stable_mosaic.version = 14 : i64} {
  func.func @_dist_argmin_kernel(%arg0: i32, %arg1: memref<1x32x1024xf32, #tpu.memory_space<vmem>>, %arg2: memref<8192x32xf32, #tpu.memory_space<vmem>>, %arg3: memref<1x1x1024xf32, #tpu.memory_space<vmem>>, %arg4: memref<1x1x1024xi32, #tpu.memory_space<vmem>>, %arg5: memref<1x1xf32, #tpu.memory_space<smem>>, %arg6: memref<32x8192xf32, #tpu.memory_space<vmem>>) attributes {dimension_semantics = [#tpu.dimension_semantics<arbitrary>], iteration_bounds = array<i64: 16>, scalar_prefetch = 0 : i64, scratch_operands = 0 : i64, tpu.core_type = #tpu.core_type<tc>, window_params = [{transform_indices = @transform_0, window_bounds = array<i64: 1, 32, 1024>}, {pipeline_mode = #tpu.pipeline_mode<synchronous>, transform_indices = @transform_1, window_bounds = array<i64: 8192, 32>}, {transform_indices = @transform_2, window_bounds = array<i64: 1, 1, 1024>}, {transform_indices = @transform_3, window_bounds = array<i64: 1, 1, 1024>}, {transform_indices = @transform_4, window_bounds = array<i64: 1, 1>}, {pipeline_mode = #tpu.pipeline_mode<synchronous>, transform_indices = @transform_5, window_bounds = array<i64: 32, 8192>}]} {
    %get3A = arith.constant 0 : index
    %get3A_0 = arith.constant 0 : index
    %get3A_1 = arith.constant 0 : index
    %get3A_2 = vector.load %arg1[%get3A, %get3A_0, %get3A_1] : memref<1x32x1024xf32, #tpu.memory_space<vmem>>, vector<1x32x1024xf32>
    %get3A_3 = vector.shape_cast %get3A_2 : vector<1x32x1024xf32> to vector<32x1024xf32>
    %get3A_4 = arith.constant 0 : index
    %get3A_5 = arith.constant 0 : index
    %get3A_6 = arith.constant 0 : index
    %get3A_7 = vector.load %arg3[%get3A_4, %get3A_5, %get3A_6] : memref<1x1x1024xf32, #tpu.memory_space<vmem>>, vector<1x1x1024xf32>
    %get3A_8 = vector.shape_cast %get3A_7 : vector<1x1x1024xf32> to vector<1x1024xf32>
    %iota3A = tpu.iota {dimensions = array<i32: 0>} : vector<1024x1024xi32>
    %convert_element_type3A = arith.sitofp %iota3A : vector<1024x1024xi32> to vector<1024x1024xf32>
    %get3A_9 = arith.constant 0 : index
    %get3A_10 = arith.constant 0 : index
    %get3A_11 = vector.load %arg2[%get3A_9, %get3A_10] : memref<8192x32xf32, #tpu.memory_space<vmem>>, vector<1024x32xf32>
    %mul3A = arith.mulf %get3A_11, %get3A_11 : vector<1024x32xf32>
    %reduce_sum3A = arith.constant dense<0.000000e+00> : vector<1024xf32>
    %reduce_sum3A_12 = vector.multi_reduction <add>, %mul3A, %reduce_sum3A [1] : vector<1024x32xf32> to vector<1024xf32>
    %broadcast_in_dim3A = vector.shape_cast %reduce_sum3A_12 : vector<1024xf32> to vector<1024x1xf32>
    %mul3A_13 = arith.constant -2.000000e+00 : f32
    %mul3A_14 = vector.broadcast %mul3A_13 : f32 to vector<1024x32xf32>
    %mul3A_15 = arith.mulf %get3A_11, %mul3A_14 : vector<1024x32xf32>
    %dot_general3A = arith.constant dense<0.000000e+00> : vector<1024x1024xf32>
    %dot_general3A_16 = tpu.matmul %mul3A_15, %get3A_3, %dot_general3A {dimension_numbers = #tpu.dot_dimension_numbers<[1], [0], [0], [1], [0, 0, 1, 1], [], []>, transpose_lhs_hint = false} : vector<1024x32xf32>, vector<32x1024xf32>, vector<1024x1024xf32> -> vector<1024x1024xf32>
    %add3A = vector.broadcast %get3A_8 : vector<1x1024xf32> to vector<1024x1024xf32>
    %add3A_17 = vector.broadcast %broadcast_in_dim3A : vector<1024x1xf32> to vector<1024x1024xf32>
    %add3A_18 = arith.addf %add3A, %add3A_17 : vector<1024x1024xf32>
    %add3A_19 = arith.addf %add3A_18, %dot_general3A_16 : vector<1024x1024xf32>
    %reduce_min3A = arith.constant dense<0x7F800000> : vector<1024xf32>
    %reduce_min3A_20 = vector.multi_reduction <minimumf>, %add3A_19, %reduce_min3A [0] : vector<1024x1024xf32> to vector<1024xf32>
    %broadcast_in_dim3A_21 = vector.shape_cast %reduce_min3A_20 : vector<1024xf32> to vector<1x1024xf32>
    %eq3A = vector.broadcast %broadcast_in_dim3A_21 : vector<1x1024xf32> to vector<1024x1024xf32>
    %eq3A_22 = arith.cmpf oeq, %add3A_19, %eq3A : vector<1024x1024xf32>
    %jit3A = arith.constant 1.000000e+09 : f32
    %broadcast_in_dim3A_23 = vector.broadcast %jit3A : f32 to vector<1024x1024xf32>
    %select_n3A = arith.select %eq3A_22, %convert_element_type3A, %broadcast_in_dim3A_23 : vector<1024x1024xi1>, vector<1024x1024xf32>
    %reduce_min3A_24 = arith.constant dense<0x7F800000> : vector<1024xf32>
    %reduce_min3A_25 = vector.multi_reduction <minimumf>, %select_n3A, %reduce_min3A_24 [0] : vector<1024x1024xf32> to vector<1024xf32>
    %broadcast_in_dim3A_26 = vector.shape_cast %reduce_min3A_25 : vector<1024xf32> to vector<1x1024xf32>
    %add3A_27 = arith.constant 0.000000e+00 : f32
    %add3A_28 = vector.broadcast %add3A_27 : f32 to vector<1x1024xf32>
    %add3A_29 = arith.addf %broadcast_in_dim3A_26, %add3A_28 : vector<1x1024xf32>
    %get3A_30 = arith.constant 1024 : index
    %get3A_31 = arith.constant 0 : index
    %get3A_32 = vector.load %arg2[%get3A_30, %get3A_31] : memref<8192x32xf32, #tpu.memory_space<vmem>>, vector<1024x32xf32>
    %mul3A_33 = arith.mulf %get3A_32, %get3A_32 : vector<1024x32xf32>
    %reduce_sum3A_34 = arith.constant dense<0.000000e+00> : vector<1024xf32>
    %reduce_sum3A_35 = vector.multi_reduction <add>, %mul3A_33, %reduce_sum3A_34 [1] : vector<1024x32xf32> to vector<1024xf32>
    %broadcast_in_dim3A_36 = vector.shape_cast %reduce_sum3A_35 : vector<1024xf32> to vector<1024x1xf32>
    %mul3A_37 = arith.constant -2.000000e+00 : f32
    %mul3A_38 = vector.broadcast %mul3A_37 : f32 to vector<1024x32xf32>
    %mul3A_39 = arith.mulf %get3A_32, %mul3A_38 : vector<1024x32xf32>
    %dot_general3A_40 = arith.constant dense<0.000000e+00> : vector<1024x1024xf32>
    %dot_general3A_41 = tpu.matmul %mul3A_39, %get3A_3, %dot_general3A_40 {dimension_numbers = #tpu.dot_dimension_numbers<[1], [0], [0], [1], [0, 0, 1, 1], [], []>, transpose_lhs_hint = false} : vector<1024x32xf32>, vector<32x1024xf32>, vector<1024x1024xf32> -> vector<1024x1024xf32>
    %add3A_42 = vector.broadcast %get3A_8 : vector<1x1024xf32> to vector<1024x1024xf32>
    %add3A_43 = vector.broadcast %broadcast_in_dim3A_36 : vector<1024x1xf32> to vector<1024x1024xf32>
    %add3A_44 = arith.addf %add3A_42, %add3A_43 : vector<1024x1024xf32>
    %add3A_45 = arith.addf %add3A_44, %dot_general3A_41 : vector<1024x1024xf32>
    %reduce_min3A_46 = arith.constant dense<0x7F800000> : vector<1024xf32>
    %reduce_min3A_47 = vector.multi_reduction <minimumf>, %add3A_45, %reduce_min3A_46 [0] : vector<1024x1024xf32> to vector<1024xf32>
    %broadcast_in_dim3A_48 = vector.shape_cast %reduce_min3A_47 : vector<1024xf32> to vector<1x1024xf32>
    %eq3A_49 = vector.broadcast %broadcast_in_dim3A_48 : vector<1x1024xf32> to vector<1024x1024xf32>
    %eq3A_50 = arith.cmpf oeq, %add3A_45, %eq3A_49 : vector<1024x1024xf32>
    %jit3A_51 = arith.constant 1.000000e+09 : f32
    %broadcast_in_dim3A_52 = vector.broadcast %jit3A_51 : f32 to vector<1024x1024xf32>
    %select_n3A_53 = arith.select %eq3A_50, %convert_element_type3A, %broadcast_in_dim3A_52 : vector<1024x1024xi1>, vector<1024x1024xf32>
    %reduce_min3A_54 = arith.constant dense<0x7F800000> : vector<1024xf32>
    %reduce_min3A_55 = vector.multi_reduction <minimumf>, %select_n3A_53, %reduce_min3A_54 [0] : vector<1024x1024xf32> to vector<1024xf32>
    %broadcast_in_dim3A_56 = vector.shape_cast %reduce_min3A_55 : vector<1024xf32> to vector<1x1024xf32>
    %add3A_57 = arith.constant 1.024000e+03 : f32
    %add3A_58 = vector.broadcast %add3A_57 : f32 to vector<1x1024xf32>
    %add3A_59 = arith.addf %broadcast_in_dim3A_56, %add3A_58 : vector<1x1024xf32>
    %lt3A = arith.cmpf olt, %broadcast_in_dim3A_48, %broadcast_in_dim3A_21 : vector<1x1024xf32>
    %select_n3A_60 = arith.select %lt3A, %broadcast_in_dim3A_48, %broadcast_in_dim3A_21 : vector<1x1024xi1>, vector<1x1024xf32>
    %select_n3A_61 = arith.select %lt3A, %add3A_59, %add3A_29 : vector<1x1024xi1>, vector<1x1024xf32>
    %get3A_62 = arith.constant 2048 : index
    %get3A_63 = arith.constant 0 : index
    %get3A_64 = vector.load %arg2[%get3A_62, %get3A_63] : memref<8192x32xf32, #tpu.memory_space<vmem>>, vector<1024x32xf32>
    %mul3A_65 = arith.mulf %get3A_64, %get3A_64 : vector<1024x32xf32>
    %reduce_sum3A_66 = arith.constant dense<0.000000e+00> : vector<1024xf32>
    %reduce_sum3A_67 = vector.multi_reduction <add>, %mul3A_65, %reduce_sum3A_66 [1] : vector<1024x32xf32> to vector<1024xf32>
    %broadcast_in_dim3A_68 = vector.shape_cast %reduce_sum3A_67 : vector<1024xf32> to vector<1024x1xf32>
    %mul3A_69 = arith.constant -2.000000e+00 : f32
    %mul3A_70 = vector.broadcast %mul3A_69 : f32 to vector<1024x32xf32>
    %mul3A_71 = arith.mulf %get3A_64, %mul3A_70 : vector<1024x32xf32>
    %dot_general3A_72 = arith.constant dense<0.000000e+00> : vector<1024x1024xf32>
    %dot_general3A_73 = tpu.matmul %mul3A_71, %get3A_3, %dot_general3A_72 {dimension_numbers = #tpu.dot_dimension_numbers<[1], [0], [0], [1], [0, 0, 1, 1], [], []>, transpose_lhs_hint = false} : vector<1024x32xf32>, vector<32x1024xf32>, vector<1024x1024xf32> -> vector<1024x1024xf32>
    %add3A_74 = vector.broadcast %get3A_8 : vector<1x1024xf32> to vector<1024x1024xf32>
    %add3A_75 = vector.broadcast %broadcast_in_dim3A_68 : vector<1024x1xf32> to vector<1024x1024xf32>
    %add3A_76 = arith.addf %add3A_74, %add3A_75 : vector<1024x1024xf32>
    %add3A_77 = arith.addf %add3A_76, %dot_general3A_73 : vector<1024x1024xf32>
    %reduce_min3A_78 = arith.constant dense<0x7F800000> : vector<1024xf32>
    %reduce_min3A_79 = vector.multi_reduction <minimumf>, %add3A_77, %reduce_min3A_78 [0] : vector<1024x1024xf32> to vector<1024xf32>
    %broadcast_in_dim3A_80 = vector.shape_cast %reduce_min3A_79 : vector<1024xf32> to vector<1x1024xf32>
    %eq3A_81 = vector.broadcast %broadcast_in_dim3A_80 : vector<1x1024xf32> to vector<1024x1024xf32>
    %eq3A_82 = arith.cmpf oeq, %add3A_77, %eq3A_81 : vector<1024x1024xf32>
    %jit3A_83 = arith.constant 1.000000e+09 : f32
    %broadcast_in_dim3A_84 = vector.broadcast %jit3A_83 : f32 to vector<1024x1024xf32>
    %select_n3A_85 = arith.select %eq3A_82, %convert_element_type3A, %broadcast_in_dim3A_84 : vector<1024x1024xi1>, vector<1024x1024xf32>
    %reduce_min3A_86 = arith.constant dense<0x7F800000> : vector<1024xf32>
    %reduce_min3A_87 = vector.multi_reduction <minimumf>, %select_n3A_85, %reduce_min3A_86 [0] : vector<1024x1024xf32> to vector<1024xf32>
    %broadcast_in_dim3A_88 = vector.shape_cast %reduce_min3A_87 : vector<1024xf32> to vector<1x1024xf32>
    %add3A_89 = arith.constant 2.048000e+03 : f32
    %add3A_90 = vector.broadcast %add3A_89 : f32 to vector<1x1024xf32>
    %add3A_91 = arith.addf %broadcast_in_dim3A_88, %add3A_90 : vector<1x1024xf32>
    %lt3A_92 = arith.cmpf olt, %broadcast_in_dim3A_80, %select_n3A_60 : vector<1x1024xf32>
    %select_n3A_93 = arith.select %lt3A_92, %broadcast_in_dim3A_80, %select_n3A_60 : vector<1x1024xi1>, vector<1x1024xf32>
    %select_n3A_94 = arith.select %lt3A_92, %add3A_91, %select_n3A_61 : vector<1x1024xi1>, vector<1x1024xf32>
    %get3A_95 = arith.constant 3072 : index
    %get3A_96 = arith.constant 0 : index
    %get3A_97 = vector.load %arg2[%get3A_95, %get3A_96] : memref<8192x32xf32, #tpu.memory_space<vmem>>, vector<1024x32xf32>
    %mul3A_98 = arith.mulf %get3A_97, %get3A_97 : vector<1024x32xf32>
    %reduce_sum3A_99 = arith.constant dense<0.000000e+00> : vector<1024xf32>
    %reduce_sum3A_100 = vector.multi_reduction <add>, %mul3A_98, %reduce_sum3A_99 [1] : vector<1024x32xf32> to vector<1024xf32>
    %broadcast_in_dim3A_101 = vector.shape_cast %reduce_sum3A_100 : vector<1024xf32> to vector<1024x1xf32>
    %mul3A_102 = arith.constant -2.000000e+00 : f32
    %mul3A_103 = vector.broadcast %mul3A_102 : f32 to vector<1024x32xf32>
    %mul3A_104 = arith.mulf %get3A_97, %mul3A_103 : vector<1024x32xf32>
    %dot_general3A_105 = arith.constant dense<0.000000e+00> : vector<1024x1024xf32>
    %dot_general3A_106 = tpu.matmul %mul3A_104, %get3A_3, %dot_general3A_105 {dimension_numbers = #tpu.dot_dimension_numbers<[1], [0], [0], [1], [0, 0, 1, 1], [], []>, transpose_lhs_hint = false} : vector<1024x32xf32>, vector<32x1024xf32>, vector<1024x1024xf32> -> vector<1024x1024xf32>
    %add3A_107 = vector.broadcast %get3A_8 : vector<1x1024xf32> to vector<1024x1024xf32>
    %add3A_108 = vector.broadcast %broadcast_in_dim3A_101 : vector<1024x1xf32> to vector<1024x1024xf32>
    %add3A_109 = arith.addf %add3A_107, %add3A_108 : vector<1024x1024xf32>
    %add3A_110 = arith.addf %add3A_109, %dot_general3A_106 : vector<1024x1024xf32>
    %reduce_min3A_111 = arith.constant dense<0x7F800000> : vector<1024xf32>
    %reduce_min3A_112 = vector.multi_reduction <minimumf>, %add3A_110, %reduce_min3A_111 [0] : vector<1024x1024xf32> to vector<1024xf32>
    %broadcast_in_dim3A_113 = vector.shape_cast %reduce_min3A_112 : vector<1024xf32> to vector<1x1024xf32>
    %eq3A_114 = vector.broadcast %broadcast_in_dim3A_113 : vector<1x1024xf32> to vector<1024x1024xf32>
    %eq3A_115 = arith.cmpf oeq, %add3A_110, %eq3A_114 : vector<1024x1024xf32>
    %jit3A_116 = arith.constant 1.000000e+09 : f32
    %broadcast_in_dim3A_117 = vector.broadcast %jit3A_116 : f32 to vector<1024x1024xf32>
    %select_n3A_118 = arith.select %eq3A_115, %convert_element_type3A, %broadcast_in_dim3A_117 : vector<1024x1024xi1>, vector<1024x1024xf32>
    %reduce_min3A_119 = arith.constant dense<0x7F800000> : vector<1024xf32>
    %reduce_min3A_120 = vector.multi_reduction <minimumf>, %select_n3A_118, %reduce_min3A_119 [0] : vector<1024x1024xf32> to vector<1024xf32>
    %broadcast_in_dim3A_121 = vector.shape_cast %reduce_min3A_120 : vector<1024xf32> to vector<1x1024xf32>
    %add3A_122 = arith.constant 3.072000e+03 : f32
    %add3A_123 = vector.broadcast %add3A_122 : f32 to vector<1x1024xf32>
    %add3A_124 = arith.addf %broadcast_in_dim3A_121, %add3A_123 : vector<1x1024xf32>
    %lt3A_125 = arith.cmpf olt, %broadcast_in_dim3A_113, %select_n3A_93 : vector<1x1024xf32>
    %select_n3A_126 = arith.select %lt3A_125, %broadcast_in_dim3A_113, %select_n3A_93 : vector<1x1024xi1>, vector<1x1024xf32>
    %select_n3A_127 = arith.select %lt3A_125, %add3A_124, %select_n3A_94 : vector<1x1024xi1>, vector<1x1024xf32>
    %convert_element_type3A_128 = arith.truncf %select_n3A_126 : vector<1x1024xf32> to vector<1x1024xbf16>
    %convert_element_type3A_129 = arith.extf %convert_element_type3A_128 : vector<1x1024xbf16> to vector<1x1024xf32>
    %get3A_130 = arith.constant 4096 : index
    %get3A_131 = arith.constant 0 : index
    %get3A_132 = vector.load %arg2[%get3A_130, %get3A_131] : memref<8192x32xf32, #tpu.memory_space<vmem>>, vector<1024x32xf32>
    %mul3A_133 = arith.mulf %get3A_132, %get3A_132 : vector<1024x32xf32>
    %reduce_sum3A_134 = arith.constant dense<0.000000e+00> : vector<1024xf32>
    %reduce_sum3A_135 = vector.multi_reduction <add>, %mul3A_133, %reduce_sum3A_134 [1] : vector<1024x32xf32> to vector<1024xf32>
    %broadcast_in_dim3A_136 = vector.shape_cast %reduce_sum3A_135 : vector<1024xf32> to vector<1024x1xf32>
    %mul3A_137 = arith.constant -2.000000e+00 : f32
    %mul3A_138 = vector.broadcast %mul3A_137 : f32 to vector<1024x32xf32>
    %mul3A_139 = arith.mulf %get3A_132, %mul3A_138 : vector<1024x32xf32>
    %dot_general3A_140 = arith.constant dense<0.000000e+00> : vector<1024x1024xf32>
    %dot_general3A_141 = tpu.matmul %mul3A_139, %get3A_3, %dot_general3A_140 {dimension_numbers = #tpu.dot_dimension_numbers<[1], [0], [0], [1], [0, 0, 1, 1], [], []>, transpose_lhs_hint = false} : vector<1024x32xf32>, vector<32x1024xf32>, vector<1024x1024xf32> -> vector<1024x1024xf32>
    %add3A_142 = vector.broadcast %get3A_8 : vector<1x1024xf32> to vector<1024x1024xf32>
    %add3A_143 = vector.broadcast %broadcast_in_dim3A_136 : vector<1024x1xf32> to vector<1024x1024xf32>
    %add3A_144 = arith.addf %add3A_142, %add3A_143 : vector<1024x1024xf32>
    %add3A_145 = arith.addf %add3A_144, %dot_general3A_141 : vector<1024x1024xf32>
    %reduce_min3A_146 = arith.constant dense<0x7F800000> : vector<1024xf32>
    %reduce_min3A_147 = vector.multi_reduction <minimumf>, %add3A_145, %reduce_min3A_146 [0] : vector<1024x1024xf32> to vector<1024xf32>
    %broadcast_in_dim3A_148 = vector.shape_cast %reduce_min3A_147 : vector<1024xf32> to vector<1x1024xf32>
    %eq3A_149 = vector.broadcast %broadcast_in_dim3A_148 : vector<1x1024xf32> to vector<1024x1024xf32>
    %eq3A_150 = arith.cmpf oeq, %add3A_145, %eq3A_149 : vector<1024x1024xf32>
    %jit3A_151 = arith.constant 1.000000e+09 : f32
    %broadcast_in_dim3A_152 = vector.broadcast %jit3A_151 : f32 to vector<1024x1024xf32>
    %select_n3A_153 = arith.select %eq3A_150, %convert_element_type3A, %broadcast_in_dim3A_152 : vector<1024x1024xi1>, vector<1024x1024xf32>
    %reduce_min3A_154 = arith.constant dense<0x7F800000> : vector<1024xf32>
    %reduce_min3A_155 = vector.multi_reduction <minimumf>, %select_n3A_153, %reduce_min3A_154 [0] : vector<1024x1024xf32> to vector<1024xf32>
    %broadcast_in_dim3A_156 = vector.shape_cast %reduce_min3A_155 : vector<1024xf32> to vector<1x1024xf32>
    %add3A_157 = arith.constant 4.096000e+03 : f32
    %add3A_158 = vector.broadcast %add3A_157 : f32 to vector<1x1024xf32>
    %add3A_159 = arith.addf %broadcast_in_dim3A_156, %add3A_158 : vector<1x1024xf32>
    %lt3A_160 = arith.cmpf olt, %broadcast_in_dim3A_148, %convert_element_type3A_129 : vector<1x1024xf32>
    %select_n3A_161 = arith.select %lt3A_160, %broadcast_in_dim3A_148, %convert_element_type3A_129 : vector<1x1024xi1>, vector<1x1024xf32>
    %select_n3A_162 = arith.select %lt3A_160, %add3A_159, %select_n3A_127 : vector<1x1024xi1>, vector<1x1024xf32>
    %get3A_163 = arith.constant 5120 : index
    %get3A_164 = arith.constant 0 : index
    %get3A_165 = vector.load %arg2[%get3A_163, %get3A_164] : memref<8192x32xf32, #tpu.memory_space<vmem>>, vector<1024x32xf32>
    %mul3A_166 = arith.mulf %get3A_165, %get3A_165 : vector<1024x32xf32>
    %reduce_sum3A_167 = arith.constant dense<0.000000e+00> : vector<1024xf32>
    %reduce_sum3A_168 = vector.multi_reduction <add>, %mul3A_166, %reduce_sum3A_167 [1] : vector<1024x32xf32> to vector<1024xf32>
    %broadcast_in_dim3A_169 = vector.shape_cast %reduce_sum3A_168 : vector<1024xf32> to vector<1024x1xf32>
    %mul3A_170 = arith.constant -2.000000e+00 : f32
    %mul3A_171 = vector.broadcast %mul3A_170 : f32 to vector<1024x32xf32>
    %mul3A_172 = arith.mulf %get3A_165, %mul3A_171 : vector<1024x32xf32>
    %dot_general3A_173 = arith.constant dense<0.000000e+00> : vector<1024x1024xf32>
    %dot_general3A_174 = tpu.matmul %mul3A_172, %get3A_3, %dot_general3A_173 {dimension_numbers = #tpu.dot_dimension_numbers<[1], [0], [0], [1], [0, 0, 1, 1], [], []>, transpose_lhs_hint = false} : vector<1024x32xf32>, vector<32x1024xf32>, vector<1024x1024xf32> -> vector<1024x1024xf32>
    %add3A_175 = vector.broadcast %get3A_8 : vector<1x1024xf32> to vector<1024x1024xf32>
    %add3A_176 = vector.broadcast %broadcast_in_dim3A_169 : vector<1024x1xf32> to vector<1024x1024xf32>
    %add3A_177 = arith.addf %add3A_175, %add3A_176 : vector<1024x1024xf32>
    %add3A_178 = arith.addf %add3A_177, %dot_general3A_174 : vector<1024x1024xf32>
    %reduce_min3A_179 = arith.constant dense<0x7F800000> : vector<1024xf32>
    %reduce_min3A_180 = vector.multi_reduction <minimumf>, %add3A_178, %reduce_min3A_179 [0] : vector<1024x1024xf32> to vector<1024xf32>
    %broadcast_in_dim3A_181 = vector.shape_cast %reduce_min3A_180 : vector<1024xf32> to vector<1x1024xf32>
    %eq3A_182 = vector.broadcast %broadcast_in_dim3A_181 : vector<1x1024xf32> to vector<1024x1024xf32>
    %eq3A_183 = arith.cmpf oeq, %add3A_178, %eq3A_182 : vector<1024x1024xf32>
    %jit3A_184 = arith.constant 1.000000e+09 : f32
    %broadcast_in_dim3A_185 = vector.broadcast %jit3A_184 : f32 to vector<1024x1024xf32>
    %select_n3A_186 = arith.select %eq3A_183, %convert_element_type3A, %broadcast_in_dim3A_185 : vector<1024x1024xi1>, vector<1024x1024xf32>
    %reduce_min3A_187 = arith.constant dense<0x7F800000> : vector<1024xf32>
    %reduce_min3A_188 = vector.multi_reduction <minimumf>, %select_n3A_186, %reduce_min3A_187 [0] : vector<1024x1024xf32> to vector<1024xf32>
    %broadcast_in_dim3A_189 = vector.shape_cast %reduce_min3A_188 : vector<1024xf32> to vector<1x1024xf32>
    %add3A_190 = arith.constant 5.120000e+03 : f32
    %add3A_191 = vector.broadcast %add3A_190 : f32 to vector<1x1024xf32>
    %add3A_192 = arith.addf %broadcast_in_dim3A_189, %add3A_191 : vector<1x1024xf32>
    %lt3A_193 = arith.cmpf olt, %broadcast_in_dim3A_181, %select_n3A_161 : vector<1x1024xf32>
    %select_n3A_194 = arith.select %lt3A_193, %broadcast_in_dim3A_181, %select_n3A_161 : vector<1x1024xi1>, vector<1x1024xf32>
    %select_n3A_195 = arith.select %lt3A_193, %add3A_192, %select_n3A_162 : vector<1x1024xi1>, vector<1x1024xf32>
    %get3A_196 = arith.constant 6144 : index
    %get3A_197 = arith.constant 0 : index
    %get3A_198 = vector.load %arg2[%get3A_196, %get3A_197] : memref<8192x32xf32, #tpu.memory_space<vmem>>, vector<1024x32xf32>
    %mul3A_199 = arith.mulf %get3A_198, %get3A_198 : vector<1024x32xf32>
    %reduce_sum3A_200 = arith.constant dense<0.000000e+00> : vector<1024xf32>
    %reduce_sum3A_201 = vector.multi_reduction <add>, %mul3A_199, %reduce_sum3A_200 [1] : vector<1024x32xf32> to vector<1024xf32>
    %broadcast_in_dim3A_202 = vector.shape_cast %reduce_sum3A_201 : vector<1024xf32> to vector<1024x1xf32>
    %mul3A_203 = arith.constant -2.000000e+00 : f32
    %mul3A_204 = vector.broadcast %mul3A_203 : f32 to vector<1024x32xf32>
    %mul3A_205 = arith.mulf %get3A_198, %mul3A_204 : vector<1024x32xf32>
    %dot_general3A_206 = arith.constant dense<0.000000e+00> : vector<1024x1024xf32>
    %dot_general3A_207 = tpu.matmul %mul3A_205, %get3A_3, %dot_general3A_206 {dimension_numbers = #tpu.dot_dimension_numbers<[1], [0], [0], [1], [0, 0, 1, 1], [], []>, transpose_lhs_hint = false} : vector<1024x32xf32>, vector<32x1024xf32>, vector<1024x1024xf32> -> vector<1024x1024xf32>
    %add3A_208 = vector.broadcast %get3A_8 : vector<1x1024xf32> to vector<1024x1024xf32>
    %add3A_209 = vector.broadcast %broadcast_in_dim3A_202 : vector<1024x1xf32> to vector<1024x1024xf32>
    %add3A_210 = arith.addf %add3A_208, %add3A_209 : vector<1024x1024xf32>
    %add3A_211 = arith.addf %add3A_210, %dot_general3A_207 : vector<1024x1024xf32>
    %reduce_min3A_212 = arith.constant dense<0x7F800000> : vector<1024xf32>
    %reduce_min3A_213 = vector.multi_reduction <minimumf>, %add3A_211, %reduce_min3A_212 [0] : vector<1024x1024xf32> to vector<1024xf32>
    %broadcast_in_dim3A_214 = vector.shape_cast %reduce_min3A_213 : vector<1024xf32> to vector<1x1024xf32>
    %eq3A_215 = vector.broadcast %broadcast_in_dim3A_214 : vector<1x1024xf32> to vector<1024x1024xf32>
    %eq3A_216 = arith.cmpf oeq, %add3A_211, %eq3A_215 : vector<1024x1024xf32>
    %jit3A_217 = arith.constant 1.000000e+09 : f32
    %broadcast_in_dim3A_218 = vector.broadcast %jit3A_217 : f32 to vector<1024x1024xf32>
    %select_n3A_219 = arith.select %eq3A_216, %convert_element_type3A, %broadcast_in_dim3A_218 : vector<1024x1024xi1>, vector<1024x1024xf32>
    %reduce_min3A_220 = arith.constant dense<0x7F800000> : vector<1024xf32>
    %reduce_min3A_221 = vector.multi_reduction <minimumf>, %select_n3A_219, %reduce_min3A_220 [0] : vector<1024x1024xf32> to vector<1024xf32>
    %broadcast_in_dim3A_222 = vector.shape_cast %reduce_min3A_221 : vector<1024xf32> to vector<1x1024xf32>
    %add3A_223 = arith.constant 6.144000e+03 : f32
    %add3A_224 = vector.broadcast %add3A_223 : f32 to vector<1x1024xf32>
    %add3A_225 = arith.addf %broadcast_in_dim3A_222, %add3A_224 : vector<1x1024xf32>
    %lt3A_226 = arith.cmpf olt, %broadcast_in_dim3A_214, %select_n3A_194 : vector<1x1024xf32>
    %select_n3A_227 = arith.select %lt3A_226, %broadcast_in_dim3A_214, %select_n3A_194 : vector<1x1024xi1>, vector<1x1024xf32>
    %select_n3A_228 = arith.select %lt3A_226, %add3A_225, %select_n3A_195 : vector<1x1024xi1>, vector<1x1024xf32>
    %get3A_229 = arith.constant 7168 : index
    %get3A_230 = arith.constant 0 : index
    %get3A_231 = vector.load %arg2[%get3A_229, %get3A_230] : memref<8192x32xf32, #tpu.memory_space<vmem>>, vector<1024x32xf32>
    %mul3A_232 = arith.mulf %get3A_231, %get3A_231 : vector<1024x32xf32>
    %reduce_sum3A_233 = arith.constant dense<0.000000e+00> : vector<1024xf32>
    %reduce_sum3A_234 = vector.multi_reduction <add>, %mul3A_232, %reduce_sum3A_233 [1] : vector<1024x32xf32> to vector<1024xf32>
    %broadcast_in_dim3A_235 = vector.shape_cast %reduce_sum3A_234 : vector<1024xf32> to vector<1024x1xf32>
    %mul3A_236 = arith.constant -2.000000e+00 : f32
    %mul3A_237 = vector.broadcast %mul3A_236 : f32 to vector<1024x32xf32>
    %mul3A_238 = arith.mulf %get3A_231, %mul3A_237 : vector<1024x32xf32>
    %dot_general3A_239 = arith.constant dense<0.000000e+00> : vector<1024x1024xf32>
    %dot_general3A_240 = tpu.matmul %mul3A_238, %get3A_3, %dot_general3A_239 {dimension_numbers = #tpu.dot_dimension_numbers<[1], [0], [0], [1], [0, 0, 1, 1], [], []>, transpose_lhs_hint = false} : vector<1024x32xf32>, vector<32x1024xf32>, vector<1024x1024xf32> -> vector<1024x1024xf32>
    %add3A_241 = vector.broadcast %get3A_8 : vector<1x1024xf32> to vector<1024x1024xf32>
    %add3A_242 = vector.broadcast %broadcast_in_dim3A_235 : vector<1024x1xf32> to vector<1024x1024xf32>
    %add3A_243 = arith.addf %add3A_241, %add3A_242 : vector<1024x1024xf32>
    %add3A_244 = arith.addf %add3A_243, %dot_general3A_240 : vector<1024x1024xf32>
    %reduce_min3A_245 = arith.constant dense<0x7F800000> : vector<1024xf32>
    %reduce_min3A_246 = vector.multi_reduction <minimumf>, %add3A_244, %reduce_min3A_245 [0] : vector<1024x1024xf32> to vector<1024xf32>
    %broadcast_in_dim3A_247 = vector.shape_cast %reduce_min3A_246 : vector<1024xf32> to vector<1x1024xf32>
    %eq3A_248 = vector.broadcast %broadcast_in_dim3A_247 : vector<1x1024xf32> to vector<1024x1024xf32>
    %eq3A_249 = arith.cmpf oeq, %add3A_244, %eq3A_248 : vector<1024x1024xf32>
    %jit3A_250 = arith.constant 1.000000e+09 : f32
    %broadcast_in_dim3A_251 = vector.broadcast %jit3A_250 : f32 to vector<1024x1024xf32>
    %select_n3A_252 = arith.select %eq3A_249, %convert_element_type3A, %broadcast_in_dim3A_251 : vector<1024x1024xi1>, vector<1024x1024xf32>
    %reduce_min3A_253 = arith.constant dense<0x7F800000> : vector<1024xf32>
    %reduce_min3A_254 = vector.multi_reduction <minimumf>, %select_n3A_252, %reduce_min3A_253 [0] : vector<1024x1024xf32> to vector<1024xf32>
    %broadcast_in_dim3A_255 = vector.shape_cast %reduce_min3A_254 : vector<1024xf32> to vector<1x1024xf32>
    %add3A_256 = arith.constant 7.168000e+03 : f32
    %add3A_257 = vector.broadcast %add3A_256 : f32 to vector<1x1024xf32>
    %add3A_258 = arith.addf %broadcast_in_dim3A_255, %add3A_257 : vector<1x1024xf32>
    %lt3A_259 = arith.cmpf olt, %broadcast_in_dim3A_247, %select_n3A_227 : vector<1x1024xf32>
    %select_n3A_260 = arith.select %lt3A_259, %broadcast_in_dim3A_247, %select_n3A_227 : vector<1x1024xi1>, vector<1x1024xf32>
    %select_n3A_261 = arith.select %lt3A_259, %add3A_258, %select_n3A_228 : vector<1x1024xi1>, vector<1x1024xf32>
    %convert_element_type3A_262 = arith.fptosi %select_n3A_261 : vector<1x1024xf32> to vector<1x1024xi32>
    %swap3A = arith.constant 0 : index
    %swap3A_263 = arith.constant 0 : index
    %swap3A_264 = arith.constant 0 : index
    %swap3A_265 = vector.load %arg4[%swap3A, %swap3A_263, %swap3A_264] : memref<1x1x1024xi32, #tpu.memory_space<vmem>>, vector<1x1x1024xi32>
    %swap3A_266 = vector.shape_cast %swap3A_265 : vector<1x1x1024xi32> to vector<1x1024xi32>
    %swap3A_267 = vector.shape_cast %convert_element_type3A_262 : vector<1x1024xi32> to vector<1x1x1024xi32>
    tpu.vector_store %arg4[%swap3A, %swap3A_263, %swap3A_264], %swap3A_267 {strides = array<i32>} : memref<1x1x1024xi32, #tpu.memory_space<vmem>>, vector<1x1x1024xi32>,
    %eq3A_268 = arith.constant 0 : i32
    %eq3A_269 = arith.cmpi eq, %arg0, %eq3A_268 : i32
    %convert_element_type3A_270 = arith.extui %eq3A_269 : i1 to i32
    %cond3A = arith.constant 0 : i32
    %cond3A_271 = arith.cmpi ne, %convert_element_type3A_270, %cond3A : i32
    scf.if %cond3A_271 {
      %swap3A_289 = arith.constant 0.000000e+00 : f32
      %swap3A_290 = arith.constant 0 : index
      %swap3A_291 = arith.constant 0 : index
      %swap3A_292 = memref.load %arg5[%swap3A_290, %swap3A_291] : memref<1x1xf32, #tpu.memory_space<smem>>
      memref.store %swap3A_289, %arg5[%swap3A_290, %swap3A_291] : memref<1x1xf32, #tpu.memory_space<smem>>
      %get3A_293 = arith.constant 0 : index
      %get3A_294 = arith.constant 0 : index
      %get3A_295 = vector.load %arg2[%get3A_293, %get3A_294] : memref<8192x32xf32, #tpu.memory_space<vmem>>, vector<1024x32xf32>
      %transpose3A = tpu.transpose %get3A_295, [1, 0] : vector<1024x32xf32> -> vector<32x1024xf32>
      %swap3A_296 = arith.constant 0 : index
      %swap3A_297 = arith.constant 0 : index
      %swap3A_298 = vector.load %arg6[%swap3A_296, %swap3A_297] : memref<32x8192xf32, #tpu.memory_space<vmem>>, vector<32x1024xf32>
      tpu.vector_store %arg6[%swap3A_296, %swap3A_297], %transpose3A {strides = array<i32>} : memref<32x8192xf32, #tpu.memory_space<vmem>>, vector<32x1024xf32>,
      %get3A_299 = arith.constant 1024 : index
      %get3A_300 = arith.constant 0 : index
      %get3A_301 = vector.load %arg2[%get3A_299, %get3A_300] : memref<8192x32xf32, #tpu.memory_space<vmem>>, vector<1024x32xf32>
      %transpose3A_302 = tpu.transpose %get3A_301, [1, 0] : vector<1024x32xf32> -> vector<32x1024xf32>
      %swap3A_303 = arith.constant 0 : index
      %swap3A_304 = arith.constant 1024 : index
      %swap3A_305 = vector.load %arg6[%swap3A_303, %swap3A_304] : memref<32x8192xf32, #tpu.memory_space<vmem>>, vector<32x1024xf32>
      tpu.vector_store %arg6[%swap3A_303, %swap3A_304], %transpose3A_302 {strides = array<i32>} : memref<32x8192xf32, #tpu.memory_space<vmem>>, vector<32x1024xf32>,
      %get3A_306 = arith.constant 2048 : index
      %get3A_307 = arith.constant 0 : index
      %get3A_308 = vector.load %arg2[%get3A_306, %get3A_307] : memref<8192x32xf32, #tpu.memory_space<vmem>>, vector<1024x32xf32>
      %transpose3A_309 = tpu.transpose %get3A_308, [1, 0] : vector<1024x32xf32> -> vector<32x1024xf32>
      %swap3A_310 = arith.constant 0 : index
      %swap3A_311 = arith.constant 2048 : index
      %swap3A_312 = vector.load %arg6[%swap3A_310, %swap3A_311] : memref<32x8192xf32, #tpu.memory_space<vmem>>, vector<32x1024xf32>
      tpu.vector_store %arg6[%swap3A_310, %swap3A_311], %transpose3A_309 {strides = array<i32>} : memref<32x8192xf32, #tpu.memory_space<vmem>>, vector<32x1024xf32>,
      %get3A_313 = arith.constant 3072 : index
      %get3A_314 = arith.constant 0 : index
      %get3A_315 = vector.load %arg2[%get3A_313, %get3A_314] : memref<8192x32xf32, #tpu.memory_space<vmem>>, vector<1024x32xf32>
      %transpose3A_316 = tpu.transpose %get3A_315, [1, 0] : vector<1024x32xf32> -> vector<32x1024xf32>
      %swap3A_317 = arith.constant 0 : index
      %swap3A_318 = arith.constant 3072 : index
      %swap3A_319 = vector.load %arg6[%swap3A_317, %swap3A_318] : memref<32x8192xf32, #tpu.memory_space<vmem>>, vector<32x1024xf32>
      tpu.vector_store %arg6[%swap3A_317, %swap3A_318], %transpose3A_316 {strides = array<i32>} : memref<32x8192xf32, #tpu.memory_space<vmem>>, vector<32x1024xf32>,
      %get3A_320 = arith.constant 4096 : index
      %get3A_321 = arith.constant 0 : index
      %get3A_322 = vector.load %arg2[%get3A_320, %get3A_321] : memref<8192x32xf32, #tpu.memory_space<vmem>>, vector<1024x32xf32>
      %transpose3A_323 = tpu.transpose %get3A_322, [1, 0] : vector<1024x32xf32> -> vector<32x1024xf32>
      %swap3A_324 = arith.constant 0 : index
      %swap3A_325 = arith.constant 4096 : index
      %swap3A_326 = vector.load %arg6[%swap3A_324, %swap3A_325] : memref<32x8192xf32, #tpu.memory_space<vmem>>, vector<32x1024xf32>
      tpu.vector_store %arg6[%swap3A_324, %swap3A_325], %transpose3A_323 {strides = array<i32>} : memref<32x8192xf32, #tpu.memory_space<vmem>>, vector<32x1024xf32>,
      %get3A_327 = arith.constant 5120 : index
      %get3A_328 = arith.constant 0 : index
      %get3A_329 = vector.load %arg2[%get3A_327, %get3A_328] : memref<8192x32xf32, #tpu.memory_space<vmem>>, vector<1024x32xf32>
      %transpose3A_330 = tpu.transpose %get3A_329, [1, 0] : vector<1024x32xf32> -> vector<32x1024xf32>
      %swap3A_331 = arith.constant 0 : index
      %swap3A_332 = arith.constant 5120 : index
      %swap3A_333 = vector.load %arg6[%swap3A_331, %swap3A_332] : memref<32x8192xf32, #tpu.memory_space<vmem>>, vector<32x1024xf32>
      tpu.vector_store %arg6[%swap3A_331, %swap3A_332], %transpose3A_330 {strides = array<i32>} : memref<32x8192xf32, #tpu.memory_space<vmem>>, vector<32x1024xf32>,
      %get3A_334 = arith.constant 6144 : index
      %get3A_335 = arith.constant 0 : index
      %get3A_336 = vector.load %arg2[%get3A_334, %get3A_335] : memref<8192x32xf32, #tpu.memory_space<vmem>>, vector<1024x32xf32>
      %transpose3A_337 = tpu.transpose %get3A_336, [1, 0] : vector<1024x32xf32> -> vector<32x1024xf32>
      %swap3A_338 = arith.constant 0 : index
      %swap3A_339 = arith.constant 6144 : index
      %swap3A_340 = vector.load %arg6[%swap3A_338, %swap3A_339] : memref<32x8192xf32, #tpu.memory_space<vmem>>, vector<32x1024xf32>
      tpu.vector_store %arg6[%swap3A_338, %swap3A_339], %transpose3A_337 {strides = array<i32>} : memref<32x8192xf32, #tpu.memory_space<vmem>>, vector<32x1024xf32>,
      %get3A_341 = arith.constant 7168 : index
      %get3A_342 = arith.constant 0 : index
      %get3A_343 = vector.load %arg2[%get3A_341, %get3A_342] : memref<8192x32xf32, #tpu.memory_space<vmem>>, vector<1024x32xf32>
      %transpose3A_344 = tpu.transpose %get3A_343, [1, 0] : vector<1024x32xf32> -> vector<32x1024xf32>
      %swap3A_345 = arith.constant 0 : index
      %swap3A_346 = arith.constant 7168 : index
      %swap3A_347 = vector.load %arg6[%swap3A_345, %swap3A_346] : memref<32x8192xf32, #tpu.memory_space<vmem>>, vector<32x1024xf32>
      tpu.vector_store %arg6[%swap3A_345, %swap3A_346], %transpose3A_344 {strides = array<i32>} : memref<32x8192xf32, #tpu.memory_space<vmem>>, vector<32x1024xf32>,
    } else {
    }
    %get3A_272 = arith.constant 0 : index
    %get3A_273 = arith.constant 0 : index
    %get3A_274 = memref.load %arg5[%get3A_272, %get3A_273] : memref<1x1xf32, #tpu.memory_space<smem>>
    %reduce_sum3A_275 = vector.shape_cast %select_n3A_260 : vector<1x1024xf32> to vector<1x1x1024xf32>
    %reduce_sum3A_276 = arith.constant dense<0.000000e+00> : vector<1xf32>
    %reduce_sum3A_277 = vector.multi_reduction <add>, %reduce_sum3A_275, %reduce_sum3A_276 [1, 2] : vector<1x1x1024xf32> to vector<1xf32>
    %reduce_sum3A_278 = vector.shape_cast %reduce_sum3A_277 : vector<1xf32> to vector<1x1x1xf32>
    %reduce_sum3A_279 = vector.extract %reduce_sum3A_278[0, 0, 0] : f32 from vector<1x1x1xf32>
    %add3A_280 = arith.addf %get3A_274, %reduce_sum3A_279 : f32
    %swap3A_281 = arith.constant 0 : index
    %swap3A_282 = arith.constant 0 : index
    %swap3A_283 = memref.load %arg5[%swap3A_281, %swap3A_282] : memref<1x1xf32, #tpu.memory_space<smem>>
    memref.store %add3A_280, %arg5[%swap3A_281, %swap3A_282] : memref<1x1xf32, #tpu.memory_space<smem>>
    %eq3A_284 = arith.constant 15 : i32
    %eq3A_285 = arith.cmpi eq, %arg0, %eq3A_284 : i32
    %convert_element_type3A_286 = arith.extui %eq3A_285 : i1 to i32
    %cond3A_287 = arith.constant 0 : i32
    %cond3A_288 = arith.cmpi ne, %convert_element_type3A_286, %cond3A_287 : i32
    scf.if %cond3A_288 {
      %mul3A_289 = arith.constant 2.38418579E-6 : f32
      %mul3A_290 = arith.mulf %add3A_280, %mul3A_289 : f32
      %swap3A_291 = arith.constant 0 : index
      %swap3A_292 = arith.constant 0 : index
      %swap3A_293 = memref.load %arg5[%swap3A_291, %swap3A_292] : memref<1x1xf32, #tpu.memory_space<smem>>
      memref.store %mul3A_290, %arg5[%swap3A_291, %swap3A_292] : memref<1x1xf32, #tpu.memory_space<smem>>
    } else {
    }
    return
  }
  func.func @transform_0(%arg0: i32) -> (i32, i32, i32) {
    %c0_i32 = arith.constant 0 : i32
    %c0_i32_0 = arith.constant 0 : i32
    %c0_i32_1 = arith.constant 0 : i32
    return %arg0, %c0_i32, %c0_i32_0 : i32, i32, i32
  }
  func.func @transform_1(%arg0: i32) -> (i32, i32) {
    %c0_i32 = arith.constant 0 : i32
    %c0_i32_0 = arith.constant 0 : i32
    %c0_i32_1 = arith.constant 0 : i32
    return %c0_i32, %c0_i32_0 : i32, i32
  }
  func.func @transform_2(%arg0: i32) -> (i32, i32, i32) {
    %c0_i32 = arith.constant 0 : i32
    %c0_i32_0 = arith.constant 0 : i32
    %c0_i32_1 = arith.constant 0 : i32
    return %arg0, %c0_i32, %c0_i32_0 : i32, i32, i32
  }
  func.func @transform_3(%arg0: i32) -> (i32, i32, i32) {
    %c0_i32 = arith.constant 0 : i32
    %c0_i32_0 = arith.constant 0 : i32
    %c0_i32_1 = arith.constant 0 : i32
    return %arg0, %c0_i32, %c0_i32_0 : i32, i32, i32
  }
  func.func @transform_4(%arg0: i32) -> (i32, i32) {
    %c0_i32 = arith.constant 0 : i32
    %c0_i32_0 = arith.constant 0 : i32
    %c0_i32_1 = arith.constant 0 : i32
    return %c0_i32, %c0_i32_0 : i32, i32
  }
  func.func @transform_5(%arg0: i32) -> (i32, i32) {
    %c0_i32 = arith.constant 0 : i32
    %c0_i32_0 = arith.constant 0 : i32
    %c0_i32_1 = arith.constant 0 : i32
    return %c0_i32, %c0_i32_0 : i32, i32
  }
}

</mosaic_0001>

<sc_bundles>
// kernel: kernel.4.cloned.1.call-start
scs
__scs_entry_jumppad:
0x0: {  	(pc) =	sbr.rel $0x88, $3  }
0x1: {  	(tag) =	ssettag $0x0;
	lr =	simm.s32 $0x1  }
0x2: {  	[smem:$0x3F9F] =	sst lr;
	_ =	strace $0xD0000000  }
0x3: {  	_ = 	snop  }
0x4: {  	_ = 	snop  }
0x5: {  	_ = 	snop  }
0x6: {  	_ = 	snop  }
0x7: {  	_ = 	snop  }
__scs_overlays_trampoline_lowered:
0x8: {  	[smem:$0x3FAE] =	sst s0  }
0x9: {  	[smem:$0x3FAF] =	sst s1  }
0xa: {  	[smem:$0x3FB0] =	sst s2  }
0xb: {  	[smem:$0x3FB1] =	sst s3  }
0xc: {  	[smem:$0x3FB2] =	sst s4  }
0xd: {  	[smem:$0x3FB3] =	sst s5  }
0xe: {  	[smem:$0x3FB4] =	sst s6  }
0xf: {  	[smem:$0x3FB5] =	sst s7  }
0x10: {  	[smem:$0x3FB6] =	sst s8  }
0x11: {  	[smem:$0x3FB7] =	sst s9;
	s0 =	simm.s32 @!p0 $0x0  }
0x12: {  	s1 =	sld [smem:$0x3F9D];
	s0 =	simm.s32 @p0 $0x1  }
0x13: {  	[smem:$0x3FB8] =	sst s0;
	s0 =	simm.s32 @!p1 $0x0  }
0x14: {  	s2 =	sld [smem:$0x3F9C];
	s0 =	simm.s32 @p1 $0x1  }
0x15: {  	[smem:$0x3FB9] =	sst s0;
	s0 =	simm.s32 @!p2 $0x0  }
0x16: {  	s3 =	sld [smem:$0x3FDB];
	s0 =	simm.s32 @p2 $0x1  }
0x17: {  	s4 =	simm.s32 $0x1BF5;
	[smem:$0x3FBB] =	sst s0  }
0x18: {  	s0 =	sld [smem:$0x3F9E];
	_ =	swait.ge [sflag:s4], $0x0  }
0x19: {  	s7 =	sld [smem:$0x3F9F]  }
0x1a: {  	s8 =	sadd.s32 $0xFFFFE003, lr  }
0x1b: {  	s9 =	sadd.s32 $0xFFFFFEF7, lr;
	s5 =	simm.s32 $0xFFFFFFFF;
	p2 =	slt.u32 s8, $0xFFFFF086  }
0x1c: {  	p1 =	slt.u32 s9, $0xF7A;
	s5 =	simm.s32 @!p2 $0x0  }
0x1d: {  	s5 =	simm.s32 @p1 $0x1;
	p0 =	seq.s32 s7, s2  }
0x1e: {  	s7 =	smul.u32 @!p0 $0xF7A, s2;
	p2 =	seq.s32 @!p0 s5, $0x0  }
0x1f: {  	s9 =	smul.u32 $0xF7A, s1;
	s8 =	simm.s32 @!p0 $0x1BF5;
	p2 =	por !p2, p0  }
0x20: {  	[sflag:s8] =	ssyncset.s32 @!p0 $0xFFFFF086;
	s6 =	sadd.s32 @!p0 s3, s7;
	s7 =	simm.s32 @!p0 $0x108  }
0x21: {  	s3 =	sadd.s32 s3, s9;
	s6 =	sadd.s32 @!p0 $0x88, s6;
	s7 =	simm.s32 @p2 $0x1082  }
0x22: {  	[simem:s7], [sflag:s8] =	dma.local @!p0 [hbm:s6], $0xF7A  }
0x23: {  	s9 =	sor.u32 $0xD0000000, s2;
	s6 =	simm.s32 $0x108;
	_ =	swait.ge @!p0 [sflag:s8], $0x0  }
0x24: {  	s3 =	sadd.s32 $0x88, s3;
	s6 =	simm.s32 @!p1 $0x1082;
	[sflag:s4] =	ssyncset.s32 $0xFFFFF086  }
0x25: {  	[simem:s6], [sflag:s4] =	dma.local [hbm:s3], $0xF7A  }
0x26: {  	[smem:$0x3F9F] =	sst s1;
	(tag) =	ssettag s2;
	_ =	strace s9  }
0x27: {  	s1 =	sld [smem:$0x3FAF]  }
0x28: {  	s2 =	sld [smem:$0x3FB0]  }
0x29: {  	s4 =	sld [smem:$0x3FB2]  }
0x2a: {  	p0 =	seq.s32 s5, $0x0;
	s5 =	sld [smem:$0x3FB3]  }
0x2b: {  	s6 =	sld [smem:$0x3FB4]  }
0x2c: {  	s7 =	sld [smem:$0x3FB5]  }
0x2d: {  	s3 =	simm.s32 $0x108;
	s8 =	sld [smem:$0x3FB6]  }
0x2e: {  	s3 =	simm.s32 @!p0 $0x1082;
	s9 =	sld [smem:$0x3FB7]  }
0x2f: {  	lr =	sadd.s32 s0, s3;
	s0 =	sld [smem:$0x3FAE]  }
0x30: {  	s3 =	sld [smem:$0x3FB1]  }
0x31: {  	[smem:$0x3FBA] =	sst s10  }
0x32: {  	s10 =	sld [smem:$0x3FB8];
	_ =	sdelay $0x3  }
0x33: {  	p0 =	seq.s32 s10, $0x1;
	s10 =	sld [smem:$0x3FBA];
	_ =	sdelay $0x3  }
0x34: {  	[smem:$0x3FBA] =	sst s10  }
0x35: {  	s10 =	sld [smem:$0x3FB9];
	_ =	sdelay $0x3  }
0x36: {  	p1 =	seq.s32 s10, $0x1;
	s10 =	sld [smem:$0x3FBA];
	_ =	sdelay $0x3  }
0x37: {  	[smem:$0x3FBA] =	sst s10  }
0x38: {  	s10 =	sld [smem:$0x3FBB]  }
0x39: {  	_ = 	snop;
	(pc) =	sbr.ind lr, $3  }
0x3a: {  	_ = 	snop  }
0x3b: {  	_ = 	snop  }
0x3c: {  	p2 =	seq.s32 s10, $0x1;
	s10 =	sld [smem:$0x3FBA]  }
0x3d: {  	_ =	shalt  }
0x3e: {  	_ =	shalt  }
0x3f: {  	_ =	shalt  }
0x40: {  	_ =	shalt  }
0x41: {  	_ =	shalt  }
0x42: {  	_ =	shalt  }
0x43: {  	_ =	shalt  }
0x44: {  	_ =	shalt  }
0x45: {  	_ =	shalt  }
0x46: {  	_ =	shalt  }
0x47: {  	_ =	shalt  }
0x48: {  	_ =	shalt  }
0x49: {  	_ =	shalt  }
0x4a: {  	_ =	shalt  }
0x4b: {  	_ =	shalt  }
0x4c: {  	_ =	shalt  }
0x4d: {  	_ =	shalt  }
0x4e: {  	_ =	shalt  }
0x4f: {  	_ =	shalt  }
0x50: {  	_ =	shalt  }
0x51: {  	_ =	shalt  }
0x52: {  	_ =	shalt  }
0x53: {  	_ =	shalt  }
0x54: {  	_ =	shalt  }
0x55: {  	_ =	shalt  }
0x56: {  	_ =	shalt  }
0x57: {  	_ =	shalt  }
0x58: {  	_ =	shalt  }
0x59: {  	_ =	shalt  }
0x5a: {  	_ =	shalt  }
0x5b: {  	_ =	shalt  }
0x5c: {  	_ =	shalt  }
0x5d: {  	_ =	shalt  }
0x5e: {  	_ =	shalt  }
0x5f: {  	_ =	shalt  }
0x60: {  	_ =	shalt  }
0x61: {  	_ =	shalt  }
0x62: {  	_ =	shalt  }
0x63: {  	_ =	shalt  }
0x64: {  	_ =	shalt  }
0x65: {  	_ =	shalt  }
0x66: {  	_ =	shalt  }
0x67: {  	_ =	shalt  }
0x68: {  	_ =	shalt  }
0x69: {  	_ =	shalt  }
0x6a: {  	_ =	shalt  }
0x6b: {  	_ =	shalt  }
0x6c: {  	_ =	shalt  }
0x6d: {  	_ =	shalt  }
0x6e: {  	_ =	shalt  }
0x6f: {  	_ =	shalt  }
0x70: {  	_ =	shalt  }
0x71: {  	_ =	shalt  }
0x72: {  	_ =	shalt  }
0x73: {  	_ =	shalt  }
0x74: {  	_ =	shalt  }
0x75: {  	_ =	shalt  }
0x76: {  	_ =	shalt  }
0x77: {  	_ =	shalt  }
0x78: {  	_ =	shalt  }
0x79: {  	_ =	shalt  }
0x7a: {  	_ =	shalt  }
0x7b: {  	_ =	shalt  }
0x7c: {  	_ =	shalt  }
0x7d: {  	_ =	shalt  }
0x7e: {  	_ =	shalt  }
0x7f: {  	_ =	shalt  }
0x80: {  	_ =	shalt  }
0x81: {  	_ =	shalt  }
0x82: {  	_ =	shalt  }
0x83: {  	_ =	shalt  }
0x84: {  	_ =	shalt  }
0x85: {  	_ =	shalt  }
0x86: {  	_ =	shalt  }
0x87: {  	_ =	shalt  }
.Lfunc_end0:
.L_simem_size_0:
called_computation_lowered:
.L_overlay_start_0:
0x88: {  	s2 =	sld [smem:$0x3FD9]  }
0x89: {  	s3 =	sld [smem:$0x3FFE];
	_ =	sdelay $0x1  }
0x8a: {  	s1 =	srdreg.scid  }
0x8b: {  	s0 =	sand.u32 $0x1, s1  }
0x8c: {  	s14 =	sshll.u32 s0, $0xA;
	s2 =	sadd.s32 s3, s2  }
0x8d: {  	s2 =	sadd.s32 s2, s14  }
0x8e: {  	[smem:$0x3FC6] =	sst s2  }
0x8f: {  	_ = 	snop  }
0x90: {  	s2 =	sld [smem:$0x3FD0];
	_ =	sdelay $0x2  }
0x91: {  	s15 =	simm.s32 $0xA;
	s4 =	simm.s32 $0x10  }
0x92: {  	[smem:s4], [sflag:s15] =	dma.local [hbm:s2], $0x1  }
0x93: {  	_ =	swait.eq [sflag:s15], $0x1  }
0x94: {  	[sflag:s15] =	ssyncset.done $0x0  }
0x95: {  	s16 =	sld [smem:$0x10];
	[sflag:s15] =	ssyncadd.s32 $0xFFFFFFFF  }
0x96: {  	s17 =	sld [smem:$0x12];
	(tm) =	ssettm $0x1  }
0x97: {  	s18 =	sld [smem:$0x3FFB];
	_ =	sdelay $0x3  }
0x98: {  	_ =	strace s18  }
0x99: {  	s4 =	sld [smem:$0x3FFC];
	_ =	sdelay $0x3  }
0x9a: {  	_ =	strace s4  }
0x9b: {  	s4 =	sld [smem:$0x3FFD];
	_ =	sdelay $0x3  }
0x9c: {  	_ =	strace s4  }
0x9d: {  	_ =	strace $0x8FFFFFFF  }
0x9e: {  	s19 =	sld [smem:$0x3FDB];
	_ =	sdelay $0x1  }
0x9f: {  	s5 =	simm.s32 $_scs_section_size  }
0xa0: {  	s6 =	simm.s32 $_size__tile_overlayer_lowered;
	s7 =	simm.s32 $_tile_overlayer_lowered  }
0xa1: {  	s22 =	simm.s32 $0x1BFF;
	s21 =	sshll.u32 s7, $0x1;
	s4 =	sadd.s32 s5, s19  }
0xa2: {  	s8 =	simm.s32 $0x0;
	s20 =	sshll.u32 s6, $0x1;
	s6 =	sadd.s32 s21, s4  }
0xa3: {  	[timem:s8], [sflag:s22] =	dma.local [hbm:s6], s20  }
0xa4: {  	_ =	swait.ge [sflag:s22], s20  }
0xa5: {  	s5 =	ssub.s32 $0x0, s20;
	[sflag:s22] =	ssyncset.done $0x0  }
0xa6: {  	[sflag:s22] =	ssyncadd.s32 s5;
	_ =	sdelay $0x1  }
0xa7: {  	s23 =	simm.s32 $0x1B8B  }
0xa8: {  	_ =	swait.ge [sflag:s23], $0x1  }
0xa9: {  	[sflag:s23] =	ssyncset.done $0x0  }
0xaa: {  	s25 =	simm.s32 $0x1B8E;
	s24 =	sld [smem:$0x3FFE];
	[sflag:s23] =	ssyncadd.s32 $0xFFFFFFFF  }
0xab: {  	s26 =	simm.s32 $execute0_lowered;
	[smem:$0x3FD2] =	sst s25  }
0xac: {  	s6 =	sshll.u32 s26, $0x1;
	_ =	strace $0x80000046;
	[dreg:$0x1] =	wrdreg $0xFFFFFFFF  }
0xad: {  	s28 =	simm.s32 $_size_execute0_lowered;
	s4 =	sadd.s32 s4, s6;
	[dreg:$0x0] =	wrdreg $0x0  }
0xae: {  	s6 =	sshll.u32 s28, $0x1;
	[dreg:$0x2] =	wrdreg s4  }
0xaf: {  	[dreg:$0x3] =	wrdreg s6  }
0xb0: {  	[dreg:$0x4] =	wrdreg $0xC0  }
0xb1: {  	_ =	task [dreg:s8], $0x5FFFF  }
0xb2: {  	[dreg:$0x1] =	wrdreg $0xFFFFFFFF  }
0xb3: {  	[dreg:$0x0] =	wrdreg $0x60  }
0xb4: {  	[dreg:$0x2] =	wrdreg s16  }
0xb5: {  	[dreg:$0x3] =	wrdreg s17  }
0xb6: {  	[dreg:$0x4] =	wrdreg s24  }
0xb7: {  	[dreg:$0x5] =	wrdreg $0x9  }
0xb8: {  	_ =	task.clear_ibuf [dreg:s8], $0x6FFFF;
	_ =	strace $0x90000046  }
0xb9: {  	s29 =	simm.s32 $0x9;
	_ =	strace $0x80000048  }
0xba: {  	_ =	swait.ge [sflag:s29], $0x1  }
0xbb: {  	[sflag:s29] =	ssyncadd.s32 $0xFFFFFFFF  }
0xbc: {  	_ =	strace $0x90000048  }
0xbd: {  	_ =	sfence  }
0xbe: {  	s30 =	sld [smem:$0x0];
	_ =	sdelay $0x2  }
0xbf: {  	s31 =	sshll.u32 s1, $0xD;
	s1 =	sshrl.u32 s1, $0x2  }
0xc0: {  	s3 =	sand.u32 $0x4000, s31;
	s1 =	sadd.s32 s1, s30  }
0xc1: {  	s0 =	sor.u32 s3, s0;
	s1 =	sshll.u32 s1, $0x11  }
0xc2: {  	s0 =	sor.u32 s1, s0  }
0xc3: {  	s0 =	sadd.s32 $0x8F2B, s0  }
0xc4: {  	[sflag:s0] =	ssyncadd.remote.s32 $0x1  }
0xc5: {  	_ =	sfence.sel $0xFFFF  }
0xc6: {  	[dreg:$0x0] =	wrdreg $0xFFFFFFFF;
	(pc) =	sbr.abs _section_cstart, $3  }
0xc7: {  	[dreg:$0x1] =	wrdreg $0xFFFFFFFF  }
0xc8: {  	_ =	task.clear_ibuf [dreg:s8], $0x2FFFF;
	_ =	strace $0x9FFFFFFF  }
0xc9: {  	(tm) =	ssettm $0x7FFFFFFF  }
tec
execute0_lowered:
.L_overlay_start_1:
0x0: {  	(tag) =	ssettag $0x1  }
0x1: {  	s0 =	rddreg [dreg:$0x0]  }
0x2: {  	s1 =	rddreg [dreg:$0x2]  }
0x3: {  	s3 =	simm.s32 $0x0;
	s2 =	srdreg.scid;
	s5 =	stileid.u32  }
0x4: {  	s22 =	simm.s32 $0x80;
	s23 =	simm.s32 $0x400;
	s24 =	simm.s32 $0x1  }
0x5: {  	s29 =	simm.s32 $0x8C00;
	s30 =	simm.s32 $0x9000;
	s31 =	simm.s32 $0x9400  }
0x6: {  	[smem:$0x7FF] =	sst s3;
	s2 =	sand.u32 $0x1, s2;
	s4 =	sshll.u32 s5, $0x8  }
0x7: {  	s5 =	sshrl.u32 s5, $0x2;
	s6 =	sshll.u32 s2, $0x7;
	s4 =	sand.u32 $0x300, s4  }
0x8: {  	_ =	strace $0x80000047;
	s28 =	sshll.u32 s5, $0xD;
	s2 =	ssub.s32 $0x2, s2  }
0x9: {  	s5 =	sshll.u32 s5, $0x10;
	s4 =	sor.u32 s6, s4;
	s7 =	sshrl.u32 s2, $0x1  }
0xa: {  	s6 =	sor.u32 s28, s4;
	s4 =	sor.u32 s5, s4;
	s2 =	ssub.s32 s2, s7  }
0xb: {  	s6 =	sshrl.u32 s6, $0x3;
	s4 =	sshrl.u32 s4, $0x3;
	s21 =	smax.u32 s2, $0x1  }
0xc: {  	s2 =	simm.s32 $0x9C00;
	s1 =	sadd.s32 s6, s1;
	s4 =	sadd.s32 s0, s4  }
0xd: {  	s0 =	simm.s32 $0x9800;
	s5 =	sadd.s32 $0x800, s1;
	s6 =	sadd.s32 $0x1800, s1  }
0xe: {  	s7 =	sadd.s32 $0x2800, s1;
	s8 =	sadd.s32 $0x3800, s1;
	s9 =	sadd.s32 $0x4800, s1  }
0xf: {  	s10 =	sadd.s32 $0x5800, s1;
	s11 =	sadd.s32 $0x6800, s1;
	s12 =	sadd.s32 $0x7800, s1  }
0x10: {  	s13 =	sadd.s32 $0x8800, s1;
	s14 =	sadd.s32 $0x9800, s1;
	s15 =	sadd.s32 $0xA800, s1  }
0x11: {  	s16 =	sadd.s32 $0xB800, s1;
	s17 =	sadd.s32 $0xC800, s1;
	s18 =	sadd.s32 $0xD800, s1  }
0x12: {  	s19 =	sadd.s32 $0xE800, s1;
	s20 =	sadd.s32 $0xF800, s1;
	s1 =	simm.s32 $0x0  }
.LBB2_1:
0x13: {  	[tilespmem:s3], [sflag:$0x1] =	stream.strided.gather [hbm4b:s4+s22], $0x2000, s23, s22, $0x38;
	[tilespmem:$0xA000] =	vst v63  }
0x14: {  	_ =	swait.ge [sflag:s24], $0x2000  }
0x15: {  	[sflag:s24] =	ssyncset.done $0x0  }
0x16: {  	[sflag:s24] =	ssyncadd.s32 $0xFFFFE000  }
0x17: {  	s26 =	simm.s32 $0x2000;
	s25 =	rddreg [dreg:$0x1]  }
0x18: {  	[tilespmem:s26], [sflag:$0x1] =	stream.linear.gather [hbm4b:s25+s3], $0x4000, $0x38;
	[tilespmem:$0xA000] =	vst v63  }
0x19: {  	_ =	swait.ge [sflag:s24], $0x4000  }
0x1a: {  	[sflag:s24] =	ssyncset.done $0x0  }
0x1b: {  	s25 =	simm.s32 $0x0;
	[sflag:s24] =	ssyncadd.s32 $0xFFFFC000  }
0x1c: {  	v0 =	vld [tilespmem:s25+$0x2000];
	_ =	sdelay $0x5  }
0x1d: {  	v1 =	vld [tilespmem:s25+$0x2010];
	_ =	sdelay $0x1  }
0x1e: {  	v0 =	vld.idx.msk [tilespmem:v0+s3+$0x0], $0xffff;
	_ =	sdelay $0x4  }
0x1f: {  	v2 =	vld [tilespmem:s25+$0x2020];
	[tilespmem:s25+$0x6000] =	vst v0  }
0x20: {  	v0 =	vld.idx.msk [tilespmem:v1+s3+$0x0], $0xffff;
	_ =	sdelay $0x4  }
0x21: {  	[tilespmem:s25+$0x6010] =	vst v0;
	v0 =	vld [tilespmem:s25+$0x2030];
	_ =	sdelay $0x1  }
0x22: {  	v1 =	vld.idx.msk [tilespmem:v2+s3+$0x0], $0xffff;
	_ =	sdelay $0x3  }
0x23: {  	s28 =	simm.s32 $0x40;
	s26 =	simm.s32 $0x200  }
.LBB2_2:
0x24: {  	p0 =	sne.s32 s26, $0xFF00;
	v2 =	vld [tilespmem:s28+$0x2000];
	[tilespmem:s25+$0x6020] =	vst v1  }
0x25: {  	v0 =	vld.idx.msk [tilespmem:v0+s3+$0x0], $0xffff;
	_ =	sdelay $0x5  }
0x26: {  	v1 =	vld [tilespmem:s28+$0x2010];
	[tilespmem:s25+$0x6030] =	vst v0;
	s25 =	smov.u32 s28  }
0x27: {  	v0 =	vld.idx.msk [tilespmem:v2+s3+$0x0], $0xffff;
	_ =	sdelay $0x5  }
0x28: {  	[tilespmem:s25+$0x6000] =	vst v0;
	v2 =	vld [tilespmem:s25+$0x2020]  }
0x29: {  	v0 =	vld.idx.msk [tilespmem:v1+s3+$0x0], $0xffff;
	_ =	sdelay $0x5  }
0x2a: {  	[tilespmem:s25+$0x6010] =	vst v0;
	v0 =	vld [tilespmem:s25+$0x2030]  }
0x2b: {  	v1 =	vld.idx.msk [tilespmem:v2+s3+$0x0], $0xffff  }
.Ltmp0:
0x2c: {  	(pc) =	sbr.rel @p0 .LBB2_2-.Ltmp0, $2  }
0x2d: {  	_ =	sdelay $0x2  }
0x2e: {  	s28 =	sshra.s32 s26, $0x2;
	s26 =	sadd.s32 $0x100, s26  }
0x2f: {  	_ =	sdelay $0x1  }
0x30: {  	v2 =	vld [tilespmem:s28+$0x2000]  }
0x31: {  	[tilespmem:s25+$0x6020] =	vst v1  }
0x32: {  	v0 =	vld.idx.msk [tilespmem:v0+s3+$0x0], $0xffff;
	_ =	sdelay $0x3  }
0x33: {  	v1 =	vld [tilespmem:s28+$0x2010]  }
0x34: {  	[tilespmem:s25+$0x6030] =	vst v0  }
0x35: {  	v0 =	vld.idx.msk [tilespmem:v2+s3+$0x0], $0xffff;
	_ =	sdelay $0x3  }
0x36: {  	v62 =	vld [tilespmem:s28+$0x2020]  }
0x37: {  	[tilespmem:s28+$0x6000] =	vst v0  }
0x38: {  	v1 =	vld.idx.msk [tilespmem:v1+s3+$0x0], $0xffff;
	_ =	sdelay $0x3  }
0x39: {  	v63 =	vld [tilespmem:s28+$0x2030]  }
0x3a: {  	[tilespmem:s28+$0x6010] =	vst v1  }
0x3b: {  	v0 =	vld.idx.msk [tilespmem:v62+s3+$0x0], $0xffff;
	_ =	sdelay $0x4  }
0x3c: {  	[tilespmem:s28+$0x6020] =	vst v0  }
0x3d: {  	v0 =	vld.idx.msk [tilespmem:v63+s3+$0x0], $0xffff;
	_ =	sdelay $0x4  }
0x3e: {  	[tilespmem:s28+$0x6030] =	vst v0;
	s28 =	simm.s32 $0x6000  }
0x3f: {  	[hbm4b:s5+s22] =	stream.strided.scatter [tilespmem:s28], [sflag:$0x1], $0x400, s23, s22, $0x38;
	[tilespmem:$0xA000] =	vst v63  }
0x40: {  	_ =	swait.ge [sflag:s24], $0x400  }
0x41: {  	[sflag:s24] =	ssyncset.done $0x0  }
0x42: {  	s26 =	simm.s32 $0x6400;
	[sflag:s24] =	ssyncadd.s32 $0xFFFFFC00  }
0x43: {  	[hbm4b:s6+s22] =	stream.strided.scatter [tilespmem:s26], [sflag:$0x1], $0x400, s23, s22, $0x38;
	[tilespmem:$0xA000] =	vst v63  }
0x44: {  	_ =	swait.ge [sflag:s24], $0x400  }
0x45: {  	[sflag:s24] =	ssyncset.done $0x0  }
0x46: {  	s28 =	simm.s32 $0x6800;
	[sflag:s24] =	ssyncadd.s32 $0xFFFFFC00  }
0x47: {  	[hbm4b:s7+s22] =	stream.strided.scatter [tilespmem:s28], [sflag:$0x1], $0x400, s23, s22, $0x38;
	[tilespmem:$0xA000] =	vst v63  }
0x48: {  	_ =	swait.ge [sflag:s24], $0x400  }
0x49: {  	[sflag:s24] =	ssyncset.done $0x0  }
0x4a: {  	s26 =	simm.s32 $0x6C00;
	[sflag:s24] =	ssyncadd.s32 $0xFFFFFC00  }
0x4b: {  	[hbm4b:s8+s22] =	stream.strided.scatter [tilespmem:s26], [sflag:$0x1], $0x400, s23, s22, $0x38;
	[tilespmem:$0xA000] =	vst v63  }
0x4c: {  	_ =	swait.ge [sflag:s24], $0x400  }
0x4d: {  	[sflag:s24] =	ssyncset.done $0x0  }
0x4e: {  	s28 =	simm.s32 $0x7000;
	[sflag:s24] =	ssyncadd.s32 $0xFFFFFC00  }
0x4f: {  	[hbm4b:s9+s22] =	stream.strided.scatter [tilespmem:s28], [sflag:$0x1], $0x400, s23, s22, $0x38;
	[tilespmem:$0xA000] =	vst v63  }
0x50: {  	_ =	swait.ge [sflag:s24], $0x400  }
0x51: {  	[sflag:s24] =	ssyncset.done $0x0  }
0x52: {  	s26 =	simm.s32 $0x7400;
	[sflag:s24] =	ssyncadd.s32 $0xFFFFFC00  }
0x53: {  	[hbm4b:s10+s22] =	stream.strided.scatter [tilespmem:s26], [sflag:$0x1], $0x400, s23, s22, $0x38;
	[tilespmem:$0xA000] =	vst v63  }
0x54: {  	_ =	swait.ge [sflag:s24], $0x400  }
0x55: {  	[sflag:s24] =	ssyncset.done $0x0  }
0x56: {  	s28 =	simm.s32 $0x7800;
	[sflag:s24] =	ssyncadd.s32 $0xFFFFFC00  }
0x57: {  	[hbm4b:s11+s22] =	stream.strided.scatter [tilespmem:s28], [sflag:$0x1], $0x400, s23, s22, $0x38;
	[tilespmem:$0xA000] =	vst v63  }
0x58: {  	_ =	swait.ge [sflag:s24], $0x400  }
0x59: {  	[sflag:s24] =	ssyncset.done $0x0  }
0x5a: {  	s26 =	simm.s32 $0x7C00;
	[sflag:s24] =	ssyncadd.s32 $0xFFFFFC00  }
0x5b: {  	[hbm4b:s12+s22] =	stream.strided.scatter [tilespmem:s26], [sflag:$0x1], $0x400, s23, s22, $0x38;
	[tilespmem:$0xA000] =	vst v63  }
0x5c: {  	_ =	swait.ge [sflag:s24], $0x400  }
0x5d: {  	[sflag:s24] =	ssyncset.done $0x0  }
0x5e: {  	s28 =	simm.s32 $0x8000;
	[sflag:s24] =	ssyncadd.s32 $0xFFFFFC00  }
0x5f: {  	[hbm4b:s13+s22] =	stream.strided.scatter [tilespmem:s28], [sflag:$0x1], $0x400, s23, s22, $0x38;
	[tilespmem:$0xA000] =	vst v63  }
0x60: {  	_ =	swait.ge [sflag:s24], $0x400  }
0x61: {  	[sflag:s24] =	ssyncset.done $0x0  }
0x62: {  	s26 =	simm.s32 $0x8400;
	[sflag:s24] =	ssyncadd.s32 $0xFFFFFC00  }
0x63: {  	[hbm4b:s14+s22] =	stream.strided.scatter [tilespmem:s26], [sflag:$0x1], $0x400, s23, s22, $0x38;
	[tilespmem:$0xA000] =	vst v63  }
0x64: {  	_ =	swait.ge [sflag:s24], $0x400  }
0x65: {  	[sflag:s24] =	ssyncset.done $0x0  }
0x66: {  	s28 =	simm.s32 $0x8800;
	[sflag:s24] =	ssyncadd.s32 $0xFFFFFC00  }
0x67: {  	[hbm4b:s15+s22] =	stream.strided.scatter [tilespmem:s28], [sflag:$0x1], $0x400, s23, s22, $0x38;
	[tilespmem:$0xA000] =	vst v63  }
0x68: {  	_ =	swait.ge [sflag:s24], $0x400  }
0x69: {  	[sflag:s24] =	ssyncset.done $0x0  }
0x6a: {  	[sflag:s24] =	ssyncadd.s32 $0xFFFFFC00  }
0x6b: {  	[hbm4b:s16+s22] =	stream.strided.scatter [tilespmem:s29], [sflag:$0x1], $0x400, s23, s22, $0x38;
	[tilespmem:$0xA000] =	vst v63  }
0x6c: {  	_ =	swait.ge [sflag:s24], $0x400  }
0x6d: {  	[sflag:s24] =	ssyncset.done $0x0  }
0x6e: {  	[sflag:s24] =	ssyncadd.s32 $0xFFFFFC00  }
0x6f: {  	[hbm4b:s17+s22] =	stream.strided.scatter [tilespmem:s30], [sflag:$0x1], $0x400, s23, s22, $0x38;
	[tilespmem:$0xA000] =	vst v63  }
0x70: {  	_ =	swait.ge [sflag:s24], $0x400  }
0x71: {  	[sflag:s24] =	ssyncset.done $0x0  }
0x72: {  	[sflag:s24] =	ssyncadd.s32 $0xFFFFFC00  }
0x73: {  	[hbm4b:s18+s22] =	stream.strided.scatter [tilespmem:s31], [sflag:$0x1], $0x400, s23, s22, $0x38;
	[tilespmem:$0xA000] =	vst v63  }
0x74: {  	_ =	swait.ge [sflag:s24], $0x400  }
0x75: {  	[sflag:s24] =	ssyncset.done $0x0  }
0x76: {  	[sflag:s24] =	ssyncadd.s32 $0xFFFFFC00  }
0x77: {  	[hbm4b:s19+s22] =	stream.strided.scatter [tilespmem:s0], [sflag:$0x1], $0x400, s23, s22, $0x38;
	[tilespmem:$0xA000] =	vst v63  }
0x78: {  	s1 =	sadd.s32 $0x1, s1;
	_ =	swait.ge [sflag:s24], $0x400  }
0x79: {  	p0 =	sne.s32 s1, s21;
	[sflag:s24] =	ssyncset.done $0x0  }
.Ltmp1:
0x7a: {  	[sflag:s24] =	ssyncadd.s32 $0xFFFFFC00;
	(pc) =	sbr.rel @p0 .LBB2_1-.Ltmp1, $4  }
0x7b: {  	[hbm4b:s20+s22] =	stream.strided.scatter [tilespmem:s2], [sflag:$0x1], $0x400, s23, s22, $0x38;
	[tilespmem:$0xA000] =	vst v63  }
0x7c: {  	_ =	swait.ge [sflag:s24], $0x400  }
0x7d: {  	[sflag:s24] =	ssyncset.done $0x0  }
0x7e: {  	[sflag:s24] =	ssyncadd.s32 $0xFFFFFC00  }
0x7f: {  	_ =	sfence.sel $0x180000  }
0x80: {  	[bflag:$0x0] =	sbarrier.arrive $0xFFFF  }
0x81: {  	_ =	strace $0x90000047  }
0x82: {  	s0 =	stileid.u32;
	[bflag:$0x2] =	sbarrier.arrive $0xFFFF  }
0x83: {  	p0 =	sne.s32 s0, $0x0;
	s0 =	rddreg [dreg:$0x3]  }
0x84: {  	s0 =	sadd.s32 @!p0 $0x100000, s0  }
0x85: {  	[sflag:s0] =	ssyncadd.tile.s32 @!p0 $0x1;
	_ =	shalt  }
.Lfunc_end2:
_tile_overlayer_lowered:
.L_overlay_start_2:
0x86: {  	(tag) =	ssettag $0x2  }
0x87: {  	s0 =	rddreg [dreg:$0x0];
	s2 =	stileid.u32  }
0x88: {  	s1 =	rddreg [dreg:$0x1];
	p0 =	sne.s32 s2, $0x0  }
0x89: {  	s3 =	rddreg [dreg:$0x2];
	[bflag:$0x3] =	sbarrier.arrive $0xFFFF;
	s2 =	simm.s32 @!p0 $0x1C01  }
0x8a: {  	[timem:s3], [sflag:s2] =	dma.local @!p0 [hbm:s0], s1  }
0x8b: {  	s0 =	simm.s32 @!p0 $0x1  }
0x8c: {  	_ =	swait.ge @!p0 [sflag:s0], s1  }
0x8d: {  	s1 =	ssub.s32 @!p0 $0x0, s1;
	[sflag:s0] =	ssyncset.done @!p0 $0x0  }
0x8e: {  	[sflag:s0] =	ssyncadd.s32 @!p0 s1  }
0x8f: {  	[bflag:$0x3] =	sbarrier.arrive $0xFFFF  }
0x90: {  	_ =	shalt  }

</sc_bundles>
